<compile_context>
chip_gen: v7x
topology: tpu7x:2x2x1
jax: 0.10.2.dev20260603
libtpu: 0.0.44.dev20260713+nightly
codegen_flags: <defaults>
</compile_context>

<pallas_src>
import functools

import jax
import jax.numpy as jnp
from jax import lax
from jax.experimental import pallas as pl
from jax.experimental.pallas import tpu as pltpu
from jax.experimental.pallas import tpu_sc as plsc

_R = 16
_H = 128
_T = 32
_IDX_MAX = 16

_HIGH = lax.Precision.HIGHEST


def _edge_gru_kernel(prev_ref, encwt_ref, encb_ref, wih_ref, whh_ref,
                     bih_ref, bhh_ref, edges_ref, ct_ref, h_ref, idx_ref,
                     *, n_nodes):
  E = edges_ref.shape[0]
  H = _H
  f32 = jnp.float32

  prev16 = prev_ref[...].reshape(_R * _IDX_MAX, H)

  src = edges_ref[:, 0:1]
  dst = edges_ref[:, 1:2]
  rel = edges_ref[:, 2:3]
  te = edges_ref[:, 3:4]
  absrel = jnp.abs(rel)
  enc_idx = jnp.where(rel >= 0, rel, _R + absrel)
  ct = ct_ref[0, 0]
  bucket = jnp.minimum(ct - te, _T - 1)

  lane = lax.broadcasted_iota(jnp.int32, (E, _R * _IDX_MAX), 1)
  oh_src = (absrel * _IDX_MAX + src == lane).astype(f32)
  oh_dst = (absrel * _IDX_MAX + dst == lane).astype(f32)
  u_i = jnp.dot(oh_src, prev16, preferred_element_type=f32, precision=_HIGH)
  u_j = jnp.dot(oh_dst, prev16, preferred_element_type=f32, precision=_HIGH)

  lane2 = lax.broadcasted_iota(jnp.int32, (E, 2 * _R * _T), 1)
  oh_enc = (enc_idx * _T + bucket == lane2).astype(f32)
  lane3 = lax.broadcasted_iota(jnp.int32, (E, 2 * _R), 1)
  oh_encb = (enc_idx == lane3).astype(f32)
  encoded = (
      jnp.dot(oh_enc, encwt_ref[...], preferred_element_type=f32)
      + jnp.dot(oh_encb, encb_ref[...], preferred_element_type=f32))

  x = jnp.concatenate([encoded + u_j, u_i], axis=1)
  h_prev = u_i

  dn = (((1,), (1,)), ((), ()))
  gx = jnp.zeros((E, 3 * H), f32)
  gh = jnp.zeros((E, 3 * H), f32)
  for r in range(_R):
    m = (absrel == r).astype(f32)
    gx = gx + m * (lax.dot_general(x, wih_ref[r], dn,
                                   preferred_element_type=f32)
                   + bih_ref[r:r + 1, :])
    gh = gh + m * (lax.dot_general(h_prev, whh_ref[r], dn,
                                   preferred_element_type=f32)
                   + bhh_ref[r:r + 1, :])

  r_g = jax.nn.sigmoid(gx[:, :H] + gh[:, :H])
  z_g = jax.nn.sigmoid(gx[:, H:2 * H] + gh[:, H:2 * H])
  n_g = jnp.tanh(gx[:, 2 * H:] + r_g * gh[:, 2 * H:])
  h_new = (1.0 - z_g) * n_g + z_g * h_prev

  idx = absrel * n_nodes + src
  key = idx.astype(f32)
  eyef = (lax.broadcasted_iota(jnp.int32, (E, E), 0)
          == lax.broadcasted_iota(jnp.int32, (E, E), 1)).astype(f32)
  key_row = lax.dot_general(key, eyef, (((0,), (0,)), ((), ())),
                            preferred_element_type=f32, precision=_HIGH)
  eq = key == key_row
  jidx = lax.broadcasted_iota(jnp.int32, (E, E), 1)
  lastidx = jnp.max(jnp.where(eq, jidx, -1), axis=1, keepdims=True)
  oh_last = (eq & (jidx == lastidx)).astype(f32)
  h_ref[...] = jnp.dot(oh_last, h_new, preferred_element_type=f32,
                       precision=_HIGH)
  idx_ref[...] = idx


def _run_edge_gru(prev, enc_wt, enc_b, w_iht, w_hht, b_ih, b_hh, edges, ct):
  E = edges.shape[0]
  N = prev.shape[1]
  in_specs = [
      pl.BlockSpec((_R, _IDX_MAX, _H), lambda i: (0, 0, 0)),
      pl.BlockSpec(enc_wt.shape, lambda i: (0, 0)),
      pl.BlockSpec(enc_b.shape, lambda i: (0, 0)),
      pl.BlockSpec(w_iht.shape, lambda i: (0, 0, 0)),
      pl.BlockSpec(w_hht.shape, lambda i: (0, 0, 0)),
      pl.BlockSpec(b_ih.shape, lambda i: (0, 0)),
      pl.BlockSpec(b_hh.shape, lambda i: (0, 0)),
      pl.BlockSpec(edges.shape, lambda i: (0, 0)),
      pl.BlockSpec(memory_space=pltpu.SMEM),
  ]
  out_specs = [
      pl.BlockSpec((E, _H), lambda i: (0, 0)),
      pl.BlockSpec((E, 1), lambda i: (0, 0)),
  ]
  h_new, idx = pl.pallas_call(
      functools.partial(_edge_gru_kernel, n_nodes=N),
      grid=(1,),
      in_specs=in_specs,
      out_specs=out_specs,
      out_shape=[
          jax.ShapeDtypeStruct((E, _H), jnp.float32),
          jax.ShapeDtypeStruct((E, 1), jnp.int32),
      ],
  )(prev, enc_wt, enc_b, w_iht, w_hht, b_ih, b_hh, edges, ct)
  return h_new, idx[:, 0]


def _make_sc_scatter(E, H):
  info = plsc.get_sparse_core_info()
  NC, NS = info.num_cores, info.num_subcores
  NW = NC * NS
  per_w = E // NW
  mesh = plsc.VectorSubcoreMesh(core_axis_name="c", subcore_axis_name="s")

  @functools.partial(
      pl.kernel, mesh=mesh, out_type=(),
      scratch_types=[
          pltpu.VMEM((per_w,), jnp.int32),
          pltpu.VMEM((per_w, H), jnp.float32),
          pltpu.SemaphoreType.DMA,
      ],
  )
  def sc_scatter(h_hbm, idx_hbm, table_ref, idx_v, rows_v, sem):
    wid = lax.axis_index("s") * NC + lax.axis_index("c")
    base = wid * per_w
    pltpu.sync_copy(idx_hbm.at[pl.ds(base, per_w)], idx_v)
    pltpu.sync_copy(h_hbm.at[pl.ds(base, per_w)], rows_v)
    pltpu.async_copy(rows_v, table_ref.at[idx_v], sem).wait()

  return sc_scatter


def kernel(prev_embeddings, enc_W, enc_b, gru_w_ih, gru_w_hh, gru_b_ih,
           gru_b_hh, edge_list, current_time):
  R, N, H = prev_embeddings.shape
  E = edge_list.shape[0]
  T = enc_W.shape[2]

  enc_wt = enc_W.transpose(0, 2, 1).reshape(2 * R * T, H)
  edges = edge_list.astype(jnp.int32)
  ct = jnp.asarray(current_time, jnp.int32).reshape(1, 1)

  table_ref = jax.new_ref(prev_embeddings.reshape(R * N, H))
  h_new, idx = _run_edge_gru(prev_embeddings, enc_wt, enc_b, gru_w_ih,
                             gru_w_hh, gru_b_ih, gru_b_hh, edges, ct)

  _make_sc_scatter(E, H)(h_new, idx, table_ref)
  updated = table_ref[...].reshape(R, N, H)
  return (updated, N)

# --- scband reference (transcript-rebuilt; emitter-appended) ---
"""Pipeline reference for scband-dynamic-graph-updater-54374285967980 (READ-ONLY COPY).

The authoritative reference and input builder live on the scoring server;
editing this copy changes nothing except your own understanding.
"""

import jax, jax.numpy as jnp
import numpy as np

R = 16
N = 50000
H = 128
T = 32
E = 256


def setup_inputs(seed: int = 0) -> dict:
    key = jax.random.key(seed)
    ks = jax.random.split(key, 8)
    return {
        "prev_embeddings": jax.random.normal(ks[0], (R, N, H), dtype=jnp.float32),
        "enc_W": jax.random.normal(ks[1], (2 * R, H, T), dtype=jnp.float32) * 0.1,
        "enc_b": jax.random.normal(ks[2], (2 * R, H), dtype=jnp.float32) * 0.1,
        "gru_w_ih": jax.random.normal(ks[3], (R, 3 * H, 2 * H), dtype=jnp.float32) * 0.05,
        "gru_w_hh": jax.random.normal(ks[4], (R, 3 * H, H), dtype=jnp.float32) * 0.05,
        "gru_b_ih": jax.random.normal(ks[5], (R, 3 * H), dtype=jnp.float32) * 0.05,
        "gru_b_hh": jax.random.normal(ks[6], (R, 3 * H), dtype=jnp.float32) * 0.05,
        "edge_list": jax.random.randint(ks[7], (E, 4), 0, 16),
        "current_time": 16,
    }


def _forward(prev, enc_W, enc_b, w_ih, w_hh, b_ih, b_hh, edges, current_time):
    # reads always come from prev (the pre-update table); writes go to the updated copy.
    # later edges touching the same (rel, src) overwrite earlier ones -> keep last write per slot.
    def body(i, updated):
        src = edges[i, 0]
        dst = edges[i, 1]
        rel = edges[i, 2]
        t_edge = edges[i, 3]
        abs_rel = jnp.abs(rel)
        time_diff = current_time - t_edge
        bucket = jnp.minimum(time_diff, T - 1)
        one_hot = jnp.zeros((T,), dtype=jnp.float32).at[bucket].set(1.0)
        rel_enc_idx = jnp.where(rel >= 0, rel, R + abs_rel)
        encoded = enc_W[rel_enc_idx] @ one_hot + enc_b[rel_enc_idx]  # Linear(one_hot)
        u_j = prev[abs_rel, dst]
        u_i = prev[abs_rel, src]
        x_ir = jnp.concatenate([encoded + u_j, u_i], axis=-1)
        h_prev = prev[abs_rel, src]
        # PyTorch GRUCell: gates ordered (r, z, n)
        gx = w_ih[abs_rel] @ x_ir + b_ih[abs_rel]
        gh = w_hh[abs_rel] @ h_prev + b_hh[abs_rel]
        r = jax.nn.sigmoid(gx[:H] + gh[:H])
        z = jax.nn.sigmoid(gx[H:2 * H] + gh[H:2 * H])
        n = jnp.tanh(gx[2 * H:] + r * gh[2 * H:])
        h_new = (1.0 - z) * n + z * h_prev
        return updated.at[abs_rel, src].set(h_new)

    updated = jax.lax.fori_loop(0, edges.shape[0], body, prev)
    return updated


def reference(prev_embeddings, enc_W, enc_b, gru_w_ih, gru_w_hh, gru_b_ih, gru_b_hh, edge_list, current_time):
    updated = _forward(prev_embeddings, enc_W, enc_b, gru_w_ih, gru_w_hh, gru_b_ih, gru_b_hh, edge_list, current_time)
    return (updated, N)

if __name__ == "__main__":
    import jax
    _d = setup_inputs()
    print(jax.jit(kernel)(*tuple(_d.values())))

</pallas_src>

<mosaic_0001>
#map = affine_map<(d0, d1) -> (0, 0)>
#map1 = affine_map<(d0, d1) -> (0)>
module attributes {stable_mosaic.version = 14 : i64} {
  func.func @new_body(%arg0: i32, %arg1: i32, %arg2: memref<256x128xf32, #tpu.memory_space<hbm>>, %arg3: memref<256xi32, #tpu.memory_space<hbm>>, %arg4: memref<800000x128xf32, #tpu.memory_space<hbm>>, %arg5: memref<800000x128xf32, #tpu.memory_space<hbm>>, %arg6: memref<8xi32, #tpu.memory_space<vmem>>, %arg7: memref<8x128xf32, #tpu.memory_space<vmem>>, %arg8: memref<!tpu.dma_semaphore, #tpu.memory_space<semaphore_mem>>) attributes {dimension_semantics = [#tpu.dimension_semantics<core_parallel>, #tpu.dimension_semantics<subcore_parallel>], iteration_bounds = array<i64: 2, 16>, scalar_prefetch = 0 : i64, scratch_operands = 3 : i64, tpu.core_type = #tpu.core_type<sc_vector_subcore>, window_params = [{transform_indices = #map}, {transform_indices = #map1}, {transform_indices = #map}, {transform_indices = #map}]} {
    %mul3A = arith.constant 2 : i32
    %mul3A_0 = arith.muli %arg1, %mul3A : i32
    %add3A = arith.addi %mul3A_0, %arg0 : i32
    %mul3A_1 = arith.constant 8 : i32
    %mul3A_2 = arith.muli %add3A, %mul3A_1 : i32
    "tpu.region"() ({
      %run_scoped3A = tpu.sem_alloc : memref<!tpu.dma_semaphore, #tpu.memory_space<semaphore_mem>>
      %dma_start3A_7 = tpu.memref_slice %arg3[%mul3A_2] : memref<256xi32, #tpu.memory_space<hbm>> -> memref<8xi32, #tpu.memory_space<hbm>>
      %dma_start3A_8 = tpu.memref_slice %arg3[%mul3A_2] : memref<256xi32, #tpu.memory_space<hbm>> -> memref<8xi32, #tpu.memory_space<hbm>>
      tpu.enqueue_dma source(%dma_start3A_8 : memref<8xi32, #tpu.memory_space<hbm>>) target(%arg6 : memref<8xi32, #tpu.memory_space<vmem>>) target_semaphore(%run_scoped3A : memref<!tpu.dma_semaphore, #tpu.memory_space<semaphore_mem>>)
      %dma_wait3A_9 = tpu.memref_slice %arg3[%mul3A_2] : memref<256xi32, #tpu.memory_space<hbm>> -> memref<8xi32, #tpu.memory_space<hbm>>
      %dma_wait3A_10 = tpu.memref_slice %arg3[%mul3A_2] : memref<256xi32, #tpu.memory_space<hbm>> -> memref<8xi32, #tpu.memory_space<hbm>>
      tpu.wait_dma2 semaphore(%run_scoped3A : memref<!tpu.dma_semaphore, #tpu.memory_space<semaphore_mem>>) src(%dma_wait3A_10 : memref<8xi32, #tpu.memory_space<hbm>>) dst(%arg6 : memref<8xi32, #tpu.memory_space<vmem>>)
      tpu.yield
    }) : () -> ()
    "tpu.region"() ({
      %run_scoped3A = tpu.sem_alloc : memref<!tpu.dma_semaphore, #tpu.memory_space<semaphore_mem>>
      %dma_start3A_7 = arith.constant 0 : i32
      %dma_start3A_8 = tpu.memref_slice %arg2[%mul3A_2, %dma_start3A_7] : memref<256x128xf32, #tpu.memory_space<hbm>> -> memref<8x128xf32, #tpu.memory_space<hbm>>
      %dma_start3A_9 = arith.constant 0 : i32
      %dma_start3A_10 = tpu.memref_slice %arg2[%mul3A_2, %dma_start3A_9] : memref<256x128xf32, #tpu.memory_space<hbm>> -> memref<8x128xf32, #tpu.memory_space<hbm>>
      tpu.enqueue_dma source(%dma_start3A_10 : memref<8x128xf32, #tpu.memory_space<hbm>>) target(%arg7 : memref<8x128xf32, #tpu.memory_space<vmem>>) target_semaphore(%run_scoped3A : memref<!tpu.dma_semaphore, #tpu.memory_space<semaphore_mem>>)
      %dma_wait3A_11 = arith.constant 0 : i32
      %dma_wait3A_12 = tpu.memref_slice %arg2[%mul3A_2, %dma_wait3A_11] : memref<256x128xf32, #tpu.memory_space<hbm>> -> memref<8x128xf32, #tpu.memory_space<hbm>>
      %dma_wait3A_13 = arith.constant 0 : i32
      %dma_wait3A_14 = tpu.memref_slice %arg2[%mul3A_2, %dma_wait3A_13] : memref<256x128xf32, #tpu.memory_space<hbm>> -> memref<8x128xf32, #tpu.memory_space<hbm>>
      tpu.wait_dma2 semaphore(%run_scoped3A : memref<!tpu.dma_semaphore, #tpu.memory_space<semaphore_mem>>) src(%dma_wait3A_14 : memref<8x128xf32, #tpu.memory_space<hbm>>) dst(%arg7 : memref<8x128xf32, #tpu.memory_space<vmem>>)
      tpu.yield
    }) : () -> ()
    %dma_start3A = arith.constant 0 : i32
    %dma_start3A_3 = arith.constant 0 : i32
    %dma_start3A_4 = tpu.memref_slice %arg4[%dma_start3A, %dma_start3A_3] : memref<800000x128xf32, #tpu.memory_space<hbm>> -> memref<800000x128xf32, #tpu.memory_space<hbm>>
    tpu.enqueue_indirect_dma source(%arg7 : memref<8x128xf32, #tpu.memory_space<vmem>>) target(%dma_start3A_4 : memref<800000x128xf32, #tpu.memory_space<hbm>>) offsets(%arg6 : memref<8xi32, #tpu.memory_space<vmem>>) semaphore(%arg8 : memref<!tpu.dma_semaphore, #tpu.memory_space<semaphore_mem>>)
    %dma_wait3A = arith.constant 0 : i32
    %dma_wait3A_5 = arith.constant 0 : i32
    %dma_wait3A_6 = tpu.memref_slice %arg4[%dma_wait3A, %dma_wait3A_5] : memref<800000x128xf32, #tpu.memory_space<hbm>> -> memref<800000x128xf32, #tpu.memory_space<hbm>>
    tpu.wait_indirect_dma semaphore(%arg8 : memref<!tpu.dma_semaphore, #tpu.memory_space<semaphore_mem>>) src(%arg7 : memref<8x128xf32, #tpu.memory_space<vmem>>) dst(%dma_wait3A_6 : memref<800000x128xf32, #tpu.memory_space<hbm>>)
    return
  }
}

module attributes {stable_mosaic.version = 14 : i64} {
  func.func @_edge_gru_kernel(%arg0: i32, %arg1: memref<16x16x128xf32, #tpu.memory_space<vmem>>, %arg2: memref<1024x128xf32, #tpu.memory_space<vmem>>, %arg3: memref<32x128xf32, #tpu.memory_space<vmem>>, %arg4: memref<16x384x256xf32, #tpu.memory_space<vmem>>, %arg5: memref<16x384x128xf32, #tpu.memory_space<vmem>>, %arg6: memref<16x384xf32, #tpu.memory_space<vmem>>, %arg7: memref<16x384xf32, #tpu.memory_space<vmem>>, %arg8: memref<256x4xi32, #tpu.memory_space<vmem>>, %arg9: memref<1x1xi32, #tpu.memory_space<smem>>, %arg10: memref<256x128xf32, #tpu.memory_space<vmem>>, %arg11: memref<256x1xi32, #tpu.memory_space<vmem>>) attributes {dimension_semantics = [#tpu.dimension_semantics<arbitrary>], iteration_bounds = array<i64: 1>, scalar_prefetch = 0 : i64, scratch_operands = 0 : i64, tpu.core_type = #tpu.core_type<tc>, window_params = [{transform_indices = @transform_0, window_bounds = array<i64: 16, 16, 128>}, {pipeline_mode = #tpu.pipeline_mode<synchronous>, transform_indices = @transform_1, window_bounds = array<i64: 1024, 128>}, {pipeline_mode = #tpu.pipeline_mode<synchronous>, transform_indices = @transform_2, window_bounds = array<i64: 32, 128>}, {pipeline_mode = #tpu.pipeline_mode<synchronous>, transform_indices = @transform_3, window_bounds = array<i64: 16, 384, 256>}, {pipeline_mode = #tpu.pipeline_mode<synchronous>, transform_indices = @transform_4, window_bounds = array<i64: 16, 384, 128>}, {pipeline_mode = #tpu.pipeline_mode<synchronous>, transform_indices = @transform_5, window_bounds = array<i64: 16, 384>}, {pipeline_mode = #tpu.pipeline_mode<synchronous>, transform_indices = @transform_6, window_bounds = array<i64: 16, 384>}, {pipeline_mode = #tpu.pipeline_mode<synchronous>, transform_indices = @transform_7, window_bounds = array<i64: 256, 4>}, {transform_indices = @transform_8, window_bounds = array<i64: 1, 1>}, {pipeline_mode = #tpu.pipeline_mode<synchronous>, transform_indices = @transform_9, window_bounds = array<i64: 256, 128>}, {pipeline_mode = #tpu.pipeline_mode<synchronous>, transform_indices = @transform_10, window_bounds = array<i64: 256, 1>}]} {
    %get3A = arith.constant 0 : index
    %get3A_0 = arith.constant 0 : index
    %get3A_1 = arith.constant 0 : index
    %get3A_2 = vector.load %arg1[%get3A, %get3A_0, %get3A_1] : memref<16x16x128xf32, #tpu.memory_space<vmem>>, vector<16x16x128xf32>
    %reshape3A = vector.shape_cast %get3A_2 : vector<16x16x128xf32> to vector<256x128xf32>
    %get3A_3 = arith.constant 0 : index
    %get3A_4 = arith.constant 0 : index
    %get3A_5 = vector.load %arg8[%get3A_3, %get3A_4] : memref<256x4xi32, #tpu.memory_space<vmem>>, vector<256x1xi32>
    %get3A_6 = arith.constant 0 : index
    %get3A_7 = arith.constant 1 : index
    %get3A_8 = vector.load %arg8[%get3A_6, %get3A_7] : memref<256x4xi32, #tpu.memory_space<vmem>>, vector<256x1xi32>
    %get3A_9 = arith.constant 0 : index
    %get3A_10 = arith.constant 2 : index
    %get3A_11 = vector.load %arg8[%get3A_9, %get3A_10] : memref<256x4xi32, #tpu.memory_space<vmem>>, vector<256x1xi32>
    %get3A_12 = arith.constant 0 : index
    %get3A_13 = arith.constant 3 : index
    %get3A_14 = vector.load %arg8[%get3A_12, %get3A_13] : memref<256x4xi32, #tpu.memory_space<vmem>>, vector<256x1xi32>
    %abs3A = math.absi %get3A_11 : vector<256x1xi32>
    %ge3A = arith.constant 0 : i32
    %ge3A_15 = vector.broadcast %ge3A : i32 to vector<256x1xi32>
    %ge3A_16 = arith.cmpi sge, %get3A_11, %ge3A_15 : vector<256x1xi32>
    %add3A = arith.constant 16 : i32
    %add3A_17 = vector.broadcast %add3A : i32 to vector<256x1xi32>
    %add3A_18 = arith.addi %add3A_17, %abs3A : vector<256x1xi32>
    %select_n3A = arith.select %ge3A_16, %get3A_11, %add3A_18 : vector<256x1xi1>, vector<256x1xi32>
    %get3A_19 = arith.constant 0 : index
    %get3A_20 = arith.constant 0 : index
    %get3A_21 = memref.load %arg9[%get3A_19, %get3A_20] : memref<1x1xi32, #tpu.memory_space<smem>>
    %sub3A = vector.broadcast %get3A_21 : i32 to vector<256x1xi32>
    %sub3A_22 = arith.subi %sub3A, %get3A_14 : vector<256x1xi32>
    %min3A = arith.constant 31 : i32
    %min3A_23 = vector.broadcast %min3A : i32 to vector<256x1xi32>
    %min3A_24 = arith.minsi %sub3A_22, %min3A_23 : vector<256x1xi32>
    %iota3A = tpu.iota {dimensions = array<i32: 1>} : vector<256x256xi32>
    %mul3A = arith.constant 16 : i32
    %mul3A_25 = vector.broadcast %mul3A : i32 to vector<256x1xi32>
    %mul3A_26 = arith.muli %abs3A, %mul3A_25 : vector<256x1xi32>
    %add3A_27 = arith.addi %mul3A_26, %get3A_5 : vector<256x1xi32>
    %eq3A = vector.broadcast %add3A_27 : vector<256x1xi32> to vector<256x256xi32>
    %eq3A_28 = arith.cmpi eq, %eq3A, %iota3A : vector<256x256xi32>
    %convert_element_type3A = arith.extui %eq3A_28 : vector<256x256xi1> to vector<256x256xi32>
    %convert_element_type3A_29 = arith.sitofp %convert_element_type3A : vector<256x256xi32> to vector<256x256xf32>
    %mul3A_30 = arith.constant 16 : i32
    %mul3A_31 = vector.broadcast %mul3A_30 : i32 to vector<256x1xi32>
    %mul3A_32 = arith.muli %abs3A, %mul3A_31 : vector<256x1xi32>
    %add3A_33 = arith.addi %mul3A_32, %get3A_8 : vector<256x1xi32>
    %eq3A_34 = vector.broadcast %add3A_33 : vector<256x1xi32> to vector<256x256xi32>
    %eq3A_35 = arith.cmpi eq, %eq3A_34, %iota3A : vector<256x256xi32>
    %convert_element_type3A_36 = arith.extui %eq3A_35 : vector<256x256xi1> to vector<256x256xi32>
    %convert_element_type3A_37 = arith.sitofp %convert_element_type3A_36 : vector<256x256xi32> to vector<256x256xf32>
    %dot_general3A = arith.constant dense<0.000000e+00> : vector<256x128xf32>
    %dot_general3A_38 = tpu.matmul %convert_element_type3A_29, %reshape3A, %dot_general3A {dimension_numbers = #tpu.dot_dimension_numbers<[1], [0], [0], [1], [0, 0, 1, 1], [], []>, precision = #tpu.contract_precision<fp32>, transpose_lhs_hint = false} : vector<256x256xf32>, vector<256x128xf32>, vector<256x128xf32> -> vector<256x128xf32>
    %dot_general3A_39 = arith.constant dense<0.000000e+00> : vector<256x128xf32>
    %dot_general3A_40 = tpu.matmul %convert_element_type3A_37, %reshape3A, %dot_general3A_39 {dimension_numbers = #tpu.dot_dimension_numbers<[1], [0], [0], [1], [0, 0, 1, 1], [], []>, precision = #tpu.contract_precision<fp32>, transpose_lhs_hint = false} : vector<256x256xf32>, vector<256x128xf32>, vector<256x128xf32> -> vector<256x128xf32>
    %iota3A_41 = tpu.iota {dimensions = array<i32: 1>} : vector<256x1024xi32>
    %mul3A_42 = arith.constant 32 : i32
    %mul3A_43 = vector.broadcast %mul3A_42 : i32 to vector<256x1xi32>
    %mul3A_44 = arith.muli %select_n3A, %mul3A_43 : vector<256x1xi32>
    %add3A_45 = arith.addi %mul3A_44, %min3A_24 : vector<256x1xi32>
    %eq3A_46 = vector.broadcast %add3A_45 : vector<256x1xi32> to vector<256x1024xi32>
    %eq3A_47 = arith.cmpi eq, %eq3A_46, %iota3A_41 : vector<256x1024xi32>
    %convert_element_type3A_48 = arith.extui %eq3A_47 : vector<256x1024xi1> to vector<256x1024xi32>
    %convert_element_type3A_49 = arith.sitofp %convert_element_type3A_48 : vector<256x1024xi32> to vector<256x1024xf32>
    %iota3A_50 = tpu.iota {dimensions = array<i32: 1>} : vector<256x32xi32>
    %eq3A_51 = vector.broadcast %select_n3A : vector<256x1xi32> to vector<256x32xi32>
    %eq3A_52 = arith.cmpi eq, %eq3A_51, %iota3A_50 : vector<256x32xi32>
    %convert_element_type3A_53 = arith.extui %eq3A_52 : vector<256x32xi1> to vector<256x32xi32>
    %convert_element_type3A_54 = arith.sitofp %convert_element_type3A_53 : vector<256x32xi32> to vector<256x32xf32>
    %get3A_55 = arith.constant 0 : index
    %get3A_56 = arith.constant 0 : index
    %get3A_57 = vector.load %arg2[%get3A_55, %get3A_56] : memref<1024x128xf32, #tpu.memory_space<vmem>>, vector<1024x128xf32>
    %dot_general3A_58 = arith.constant dense<0.000000e+00> : vector<256x128xf32>
    %dot_general3A_59 = tpu.matmul %convert_element_type3A_49, %get3A_57, %dot_general3A_58 {dimension_numbers = #tpu.dot_dimension_numbers<[1], [0], [0], [1], [0, 0, 1, 1], [], []>, transpose_lhs_hint = false} : vector<256x1024xf32>, vector<1024x128xf32>, vector<256x128xf32> -> vector<256x128xf32>
    %get3A_60 = arith.constant 0 : index
    %get3A_61 = arith.constant 0 : index
    %get3A_62 = vector.load %arg3[%get3A_60, %get3A_61] : memref<32x128xf32, #tpu.memory_space<vmem>>, vector<32x128xf32>
    %dot_general3A_63 = arith.constant dense<0.000000e+00> : vector<256x128xf32>
    %dot_general3A_64 = tpu.matmul %convert_element_type3A_54, %get3A_62, %dot_general3A_63 {dimension_numbers = #tpu.dot_dimension_numbers<[1], [0], [0], [1], [0, 0, 1, 1], [], []>, transpose_lhs_hint = false} : vector<256x32xf32>, vector<32x128xf32>, vector<256x128xf32> -> vector<256x128xf32>
    %add3A_65 = arith.addf %dot_general3A_59, %dot_general3A_64 : vector<256x128xf32>
    %add3A_66 = arith.addf %add3A_65, %dot_general3A_40 : vector<256x128xf32>
    %concatenate3A = tpu.concatenate %add3A_66, %dot_general3A_38 in 1 : vector<256x128xf32>, vector<256x128xf32> -> vector<256x256xf32>
    %broadcast_in_dim3A = arith.constant 0.000000e+00 : f32
    %broadcast_in_dim3A_67 = vector.broadcast %broadcast_in_dim3A : f32 to vector<256x384xf32>
    %broadcast_in_dim3A_68 = arith.constant 0.000000e+00 : f32
    %broadcast_in_dim3A_69 = vector.broadcast %broadcast_in_dim3A_68 : f32 to vector<256x384xf32>
    %eq3A_70 = arith.constant 0 : i32
    %eq3A_71 = vector.broadcast %eq3A_70 : i32 to vector<256x1xi32>
    %eq3A_72 = arith.cmpi eq, %abs3A, %eq3A_71 : vector<256x1xi32>
    %convert_element_type3A_73 = arith.extui %eq3A_72 : vector<256x1xi1> to vector<256x1xi32>
    %convert_element_type3A_74 = arith.sitofp %convert_element_type3A_73 : vector<256x1xi32> to vector<256x1xf32>
    %get3A_75 = arith.constant 0 : index
    %get3A_76 = arith.constant 0 : index
    %get3A_77 = arith.constant 0 : index
    %get3A_78 = vector.load %arg4[%get3A_75, %get3A_76, %get3A_77] : memref<16x384x256xf32, #tpu.memory_space<vmem>>, vector<1x384x256xf32>
    %get3A_79 = vector.shape_cast %get3A_78 : vector<1x384x256xf32> to vector<384x256xf32>
    %dot_general3A_80 = arith.constant dense<0.000000e+00> : vector<256x384xf32>
    %dot_general3A_81 = tpu.matmul %concatenate3A, %get3A_79, %dot_general3A_80 {dimension_numbers = #tpu.dot_dimension_numbers<[1], [1], [0], [0], [0, 0, 1, 0], [], []>, transpose_lhs_hint = false} : vector<256x256xf32>, vector<384x256xf32>, vector<256x384xf32> -> vector<256x384xf32>
    %get3A_82 = arith.constant 0 : index
    %get3A_83 = arith.constant 0 : index
    %get3A_84 = vector.load %arg6[%get3A_82, %get3A_83] : memref<16x384xf32, #tpu.memory_space<vmem>>, vector<1x384xf32>
    %add3A_85 = vector.broadcast %get3A_84 : vector<1x384xf32> to vector<256x384xf32>
    %add3A_86 = arith.addf %dot_general3A_81, %add3A_85 : vector<256x384xf32>
    %mul3A_87 = vector.broadcast %convert_element_type3A_74 : vector<256x1xf32> to vector<256x384xf32>
    %mul3A_88 = arith.mulf %mul3A_87, %add3A_86 : vector<256x384xf32>
    %add3A_89 = arith.addf %broadcast_in_dim3A_67, %mul3A_88 : vector<256x384xf32>
    %get3A_90 = arith.constant 0 : index
    %get3A_91 = arith.constant 0 : index
    %get3A_92 = arith.constant 0 : index
    %get3A_93 = vector.load %arg5[%get3A_90, %get3A_91, %get3A_92] : memref<16x384x128xf32, #tpu.memory_space<vmem>>, vector<1x384x128xf32>
    %get3A_94 = vector.shape_cast %get3A_93 : vector<1x384x128xf32> to vector<384x128xf32>
    %dot_general3A_95 = arith.constant dense<0.000000e+00> : vector<256x384xf32>
    %dot_general3A_96 = tpu.matmul %dot_general3A_38, %get3A_94, %dot_general3A_95 {dimension_numbers = #tpu.dot_dimension_numbers<[1], [1], [0], [0], [0, 0, 1, 0], [], []>, transpose_lhs_hint = false} : vector<256x128xf32>, vector<384x128xf32>, vector<256x384xf32> -> vector<256x384xf32>
    %get3A_97 = arith.constant 0 : index
    %get3A_98 = arith.constant 0 : index
    %get3A_99 = vector.load %arg7[%get3A_97, %get3A_98] : memref<16x384xf32, #tpu.memory_space<vmem>>, vector<1x384xf32>
    %add3A_100 = vector.broadcast %get3A_99 : vector<1x384xf32> to vector<256x384xf32>
    %add3A_101 = arith.addf %dot_general3A_96, %add3A_100 : vector<256x384xf32>
    %mul3A_102 = vector.broadcast %convert_element_type3A_74 : vector<256x1xf32> to vector<256x384xf32>
    %mul3A_103 = arith.mulf %mul3A_102, %add3A_101 : vector<256x384xf32>
    %add3A_104 = arith.addf %broadcast_in_dim3A_69, %mul3A_103 : vector<256x384xf32>
    %eq3A_105 = arith.constant 1 : i32
    %eq3A_106 = vector.broadcast %eq3A_105 : i32 to vector<256x1xi32>
    %eq3A_107 = arith.cmpi eq, %abs3A, %eq3A_106 : vector<256x1xi32>
    %convert_element_type3A_108 = arith.extui %eq3A_107 : vector<256x1xi1> to vector<256x1xi32>
    %convert_element_type3A_109 = arith.sitofp %convert_element_type3A_108 : vector<256x1xi32> to vector<256x1xf32>
    %get3A_110 = arith.constant 1 : index
    %get3A_111 = arith.constant 0 : index
    %get3A_112 = arith.constant 0 : index
    %get3A_113 = vector.load %arg4[%get3A_110, %get3A_111, %get3A_112] : memref<16x384x256xf32, #tpu.memory_space<vmem>>, vector<1x384x256xf32>
    %get3A_114 = vector.shape_cast %get3A_113 : vector<1x384x256xf32> to vector<384x256xf32>
    %dot_general3A_115 = arith.constant dense<0.000000e+00> : vector<256x384xf32>
    %dot_general3A_116 = tpu.matmul %concatenate3A, %get3A_114, %dot_general3A_115 {dimension_numbers = #tpu.dot_dimension_numbers<[1], [1], [0], [0], [0, 0, 1, 0], [], []>, transpose_lhs_hint = false} : vector<256x256xf32>, vector<384x256xf32>, vector<256x384xf32> -> vector<256x384xf32>
    %get3A_117 = arith.constant 1 : index
    %get3A_118 = arith.constant 0 : index
    %get3A_119 = vector.load %arg6[%get3A_117, %get3A_118] : memref<16x384xf32, #tpu.memory_space<vmem>>, vector<1x384xf32>
    %add3A_120 = vector.broadcast %get3A_119 : vector<1x384xf32> to vector<256x384xf32>
    %add3A_121 = arith.addf %dot_general3A_116, %add3A_120 : vector<256x384xf32>
    %mul3A_122 = vector.broadcast %convert_element_type3A_109 : vector<256x1xf32> to vector<256x384xf32>
    %mul3A_123 = arith.mulf %mul3A_122, %add3A_121 : vector<256x384xf32>
    %add3A_124 = arith.addf %add3A_89, %mul3A_123 : vector<256x384xf32>
    %get3A_125 = arith.constant 1 : index
    %get3A_126 = arith.constant 0 : index
    %get3A_127 = arith.constant 0 : index
    %get3A_128 = vector.load %arg5[%get3A_125, %get3A_126, %get3A_127] : memref<16x384x128xf32, #tpu.memory_space<vmem>>, vector<1x384x128xf32>
    %get3A_129 = vector.shape_cast %get3A_128 : vector<1x384x128xf32> to vector<384x128xf32>
    %dot_general3A_130 = arith.constant dense<0.000000e+00> : vector<256x384xf32>
    %dot_general3A_131 = tpu.matmul %dot_general3A_38, %get3A_129, %dot_general3A_130 {dimension_numbers = #tpu.dot_dimension_numbers<[1], [1], [0], [0], [0, 0, 1, 0], [], []>, transpose_lhs_hint = false} : vector<256x128xf32>, vector<384x128xf32>, vector<256x384xf32> -> vector<256x384xf32>
    %get3A_132 = arith.constant 1 : index
    %get3A_133 = arith.constant 0 : index
    %get3A_134 = vector.load %arg7[%get3A_132, %get3A_133] : memref<16x384xf32, #tpu.memory_space<vmem>>, vector<1x384xf32>
    %add3A_135 = vector.broadcast %get3A_134 : vector<1x384xf32> to vector<256x384xf32>
    %add3A_136 = arith.addf %dot_general3A_131, %add3A_135 : vector<256x384xf32>
    %mul3A_137 = vector.broadcast %convert_element_type3A_109 : vector<256x1xf32> to vector<256x384xf32>
    %mul3A_138 = arith.mulf %mul3A_137, %add3A_136 : vector<256x384xf32>
    %add3A_139 = arith.addf %add3A_104, %mul3A_138 : vector<256x384xf32>
    %eq3A_140 = arith.constant 2 : i32
    %eq3A_141 = vector.broadcast %eq3A_140 : i32 to vector<256x1xi32>
    %eq3A_142 = arith.cmpi eq, %abs3A, %eq3A_141 : vector<256x1xi32>
    %convert_element_type3A_143 = arith.extui %eq3A_142 : vector<256x1xi1> to vector<256x1xi32>
    %convert_element_type3A_144 = arith.sitofp %convert_element_type3A_143 : vector<256x1xi32> to vector<256x1xf32>
    %get3A_145 = arith.constant 2 : index
    %get3A_146 = arith.constant 0 : index
    %get3A_147 = arith.constant 0 : index
    %get3A_148 = vector.load %arg4[%get3A_145, %get3A_146, %get3A_147] : memref<16x384x256xf32, #tpu.memory_space<vmem>>, vector<1x384x256xf32>
    %get3A_149 = vector.shape_cast %get3A_148 : vector<1x384x256xf32> to vector<384x256xf32>
    %dot_general3A_150 = arith.constant dense<0.000000e+00> : vector<256x384xf32>
    %dot_general3A_151 = tpu.matmul %concatenate3A, %get3A_149, %dot_general3A_150 {dimension_numbers = #tpu.dot_dimension_numbers<[1], [1], [0], [0], [0, 0, 1, 0], [], []>, transpose_lhs_hint = false} : vector<256x256xf32>, vector<384x256xf32>, vector<256x384xf32> -> vector<256x384xf32>
    %get3A_152 = arith.constant 2 : index
    %get3A_153 = arith.constant 0 : index
    %get3A_154 = vector.load %arg6[%get3A_152, %get3A_153] : memref<16x384xf32, #tpu.memory_space<vmem>>, vector<1x384xf32>
    %add3A_155 = vector.broadcast %get3A_154 : vector<1x384xf32> to vector<256x384xf32>
    %add3A_156 = arith.addf %dot_general3A_151, %add3A_155 : vector<256x384xf32>
    %mul3A_157 = vector.broadcast %convert_element_type3A_144 : vector<256x1xf32> to vector<256x384xf32>
    %mul3A_158 = arith.mulf %mul3A_157, %add3A_156 : vector<256x384xf32>
    %add3A_159 = arith.addf %add3A_124, %mul3A_158 : vector<256x384xf32>
    %get3A_160 = arith.constant 2 : index
    %get3A_161 = arith.constant 0 : index
    %get3A_162 = arith.constant 0 : index
    %get3A_163 = vector.load %arg5[%get3A_160, %get3A_161, %get3A_162] : memref<16x384x128xf32, #tpu.memory_space<vmem>>, vector<1x384x128xf32>
    %get3A_164 = vector.shape_cast %get3A_163 : vector<1x384x128xf32> to vector<384x128xf32>
    %dot_general3A_165 = arith.constant dense<0.000000e+00> : vector<256x384xf32>
    %dot_general3A_166 = tpu.matmul %dot_general3A_38, %get3A_164, %dot_general3A_165 {dimension_numbers = #tpu.dot_dimension_numbers<[1], [1], [0], [0], [0, 0, 1, 0], [], []>, transpose_lhs_hint = false} : vector<256x128xf32>, vector<384x128xf32>, vector<256x384xf32> -> vector<256x384xf32>
    %get3A_167 = arith.constant 2 : index
    %get3A_168 = arith.constant 0 : index
    %get3A_169 = vector.load %arg7[%get3A_167, %get3A_168] : memref<16x384xf32, #tpu.memory_space<vmem>>, vector<1x384xf32>
    %add3A_170 = vector.broadcast %get3A_169 : vector<1x384xf32> to vector<256x384xf32>
    %add3A_171 = arith.addf %dot_general3A_166, %add3A_170 : vector<256x384xf32>
    %mul3A_172 = vector.broadcast %convert_element_type3A_144 : vector<256x1xf32> to vector<256x384xf32>
    %mul3A_173 = arith.mulf %mul3A_172, %add3A_171 : vector<256x384xf32>
    %add3A_174 = arith.addf %add3A_139, %mul3A_173 : vector<256x384xf32>
    %eq3A_175 = arith.constant 3 : i32
    %eq3A_176 = vector.broadcast %eq3A_175 : i32 to vector<256x1xi32>
    %eq3A_177 = arith.cmpi eq, %abs3A, %eq3A_176 : vector<256x1xi32>
    %convert_element_type3A_178 = arith.extui %eq3A_177 : vector<256x1xi1> to vector<256x1xi32>
    %convert_element_type3A_179 = arith.sitofp %convert_element_type3A_178 : vector<256x1xi32> to vector<256x1xf32>
    %get3A_180 = arith.constant 3 : index
    %get3A_181 = arith.constant 0 : index
    %get3A_182 = arith.constant 0 : index
    %get3A_183 = vector.load %arg4[%get3A_180, %get3A_181, %get3A_182] : memref<16x384x256xf32, #tpu.memory_space<vmem>>, vector<1x384x256xf32>
    %get3A_184 = vector.shape_cast %get3A_183 : vector<1x384x256xf32> to vector<384x256xf32>
    %dot_general3A_185 = arith.constant dense<0.000000e+00> : vector<256x384xf32>
    %dot_general3A_186 = tpu.matmul %concatenate3A, %get3A_184, %dot_general3A_185 {dimension_numbers = #tpu.dot_dimension_numbers<[1], [1], [0], [0], [0, 0, 1, 0], [], []>, transpose_lhs_hint = false} : vector<256x256xf32>, vector<384x256xf32>, vector<256x384xf32> -> vector<256x384xf32>
    %get3A_187 = arith.constant 3 : index
    %get3A_188 = arith.constant 0 : index
    %get3A_189 = vector.load %arg6[%get3A_187, %get3A_188] : memref<16x384xf32, #tpu.memory_space<vmem>>, vector<1x384xf32>
    %add3A_190 = vector.broadcast %get3A_189 : vector<1x384xf32> to vector<256x384xf32>
    %add3A_191 = arith.addf %dot_general3A_186, %add3A_190 : vector<256x384xf32>
    %mul3A_192 = vector.broadcast %convert_element_type3A_179 : vector<256x1xf32> to vector<256x384xf32>
    %mul3A_193 = arith.mulf %mul3A_192, %add3A_191 : vector<256x384xf32>
    %add3A_194 = arith.addf %add3A_159, %mul3A_193 : vector<256x384xf32>
    %get3A_195 = arith.constant 3 : index
    %get3A_196 = arith.constant 0 : index
    %get3A_197 = arith.constant 0 : index
    %get3A_198 = vector.load %arg5[%get3A_195, %get3A_196, %get3A_197] : memref<16x384x128xf32, #tpu.memory_space<vmem>>, vector<1x384x128xf32>
    %get3A_199 = vector.shape_cast %get3A_198 : vector<1x384x128xf32> to vector<384x128xf32>
    %dot_general3A_200 = arith.constant dense<0.000000e+00> : vector<256x384xf32>
    %dot_general3A_201 = tpu.matmul %dot_general3A_38, %get3A_199, %dot_general3A_200 {dimension_numbers = #tpu.dot_dimension_numbers<[1], [1], [0], [0], [0, 0, 1, 0], [], []>, transpose_lhs_hint = false} : vector<256x128xf32>, vector<384x128xf32>, vector<256x384xf32> -> vector<256x384xf32>
    %get3A_202 = arith.constant 3 : index
    %get3A_203 = arith.constant 0 : index
    %get3A_204 = vector.load %arg7[%get3A_202, %get3A_203] : memref<16x384xf32, #tpu.memory_space<vmem>>, vector<1x384xf32>
    %add3A_205 = vector.broadcast %get3A_204 : vector<1x384xf32> to vector<256x384xf32>
    %add3A_206 = arith.addf %dot_general3A_201, %add3A_205 : vector<256x384xf32>
    %mul3A_207 = vector.broadcast %convert_element_type3A_179 : vector<256x1xf32> to vector<256x384xf32>
    %mul3A_208 = arith.mulf %mul3A_207, %add3A_206 : vector<256x384xf32>
    %add3A_209 = arith.addf %add3A_174, %mul3A_208 : vector<256x384xf32>
    %eq3A_210 = arith.constant 4 : i32
    %eq3A_211 = vector.broadcast %eq3A_210 : i32 to vector<256x1xi32>
    %eq3A_212 = arith.cmpi eq, %abs3A, %eq3A_211 : vector<256x1xi32>
    %convert_element_type3A_213 = arith.extui %eq3A_212 : vector<256x1xi1> to vector<256x1xi32>
    %convert_element_type3A_214 = arith.sitofp %convert_element_type3A_213 : vector<256x1xi32> to vector<256x1xf32>
    %get3A_215 = arith.constant 4 : index
    %get3A_216 = arith.constant 0 : index
    %get3A_217 = arith.constant 0 : index
    %get3A_218 = vector.load %arg4[%get3A_215, %get3A_216, %get3A_217] : memref<16x384x256xf32, #tpu.memory_space<vmem>>, vector<1x384x256xf32>
    %get3A_219 = vector.shape_cast %get3A_218 : vector<1x384x256xf32> to vector<384x256xf32>
    %dot_general3A_220 = arith.constant dense<0.000000e+00> : vector<256x384xf32>
    %dot_general3A_221 = tpu.matmul %concatenate3A, %get3A_219, %dot_general3A_220 {dimension_numbers = #tpu.dot_dimension_numbers<[1], [1], [0], [0], [0, 0, 1, 0], [], []>, transpose_lhs_hint = false} : vector<256x256xf32>, vector<384x256xf32>, vector<256x384xf32> -> vector<256x384xf32>
    %get3A_222 = arith.constant 4 : index
    %get3A_223 = arith.constant 0 : index
    %get3A_224 = vector.load %arg6[%get3A_222, %get3A_223] : memref<16x384xf32, #tpu.memory_space<vmem>>, vector<1x384xf32>
    %add3A_225 = vector.broadcast %get3A_224 : vector<1x384xf32> to vector<256x384xf32>
    %add3A_226 = arith.addf %dot_general3A_221, %add3A_225 : vector<256x384xf32>
    %mul3A_227 = vector.broadcast %convert_element_type3A_214 : vector<256x1xf32> to vector<256x384xf32>
    %mul3A_228 = arith.mulf %mul3A_227, %add3A_226 : vector<256x384xf32>
    %add3A_229 = arith.addf %add3A_194, %mul3A_228 : vector<256x384xf32>
    %get3A_230 = arith.constant 4 : index
    %get3A_231 = arith.constant 0 : index
    %get3A_232 = arith.constant 0 : index
    %get3A_233 = vector.load %arg5[%get3A_230, %get3A_231, %get3A_232] : memref<16x384x128xf32, #tpu.memory_space<vmem>>, vector<1x384x128xf32>
    %get3A_234 = vector.shape_cast %get3A_233 : vector<1x384x128xf32> to vector<384x128xf32>
    %dot_general3A_235 = arith.constant dense<0.000000e+00> : vector<256x384xf32>
    %dot_general3A_236 = tpu.matmul %dot_general3A_38, %get3A_234, %dot_general3A_235 {dimension_numbers = #tpu.dot_dimension_numbers<[1], [1], [0], [0], [0, 0, 1, 0], [], []>, transpose_lhs_hint = false} : vector<256x128xf32>, vector<384x128xf32>, vector<256x384xf32> -> vector<256x384xf32>
    %get3A_237 = arith.constant 4 : index
    %get3A_238 = arith.constant 0 : index
    %get3A_239 = vector.load %arg7[%get3A_237, %get3A_238] : memref<16x384xf32, #tpu.memory_space<vmem>>, vector<1x384xf32>
    %add3A_240 = vector.broadcast %get3A_239 : vector<1x384xf32> to vector<256x384xf32>
    %add3A_241 = arith.addf %dot_general3A_236, %add3A_240 : vector<256x384xf32>
    %mul3A_242 = vector.broadcast %convert_element_type3A_214 : vector<256x1xf32> to vector<256x384xf32>
    %mul3A_243 = arith.mulf %mul3A_242, %add3A_241 : vector<256x384xf32>
    %add3A_244 = arith.addf %add3A_209, %mul3A_243 : vector<256x384xf32>
    %eq3A_245 = arith.constant 5 : i32
    %eq3A_246 = vector.broadcast %eq3A_245 : i32 to vector<256x1xi32>
    %eq3A_247 = arith.cmpi eq, %abs3A, %eq3A_246 : vector<256x1xi32>
    %convert_element_type3A_248 = arith.extui %eq3A_247 : vector<256x1xi1> to vector<256x1xi32>
    %convert_element_type3A_249 = arith.sitofp %convert_element_type3A_248 : vector<256x1xi32> to vector<256x1xf32>
    %get3A_250 = arith.constant 5 : index
    %get3A_251 = arith.constant 0 : index
    %get3A_252 = arith.constant 0 : index
    %get3A_253 = vector.load %arg4[%get3A_250, %get3A_251, %get3A_252] : memref<16x384x256xf32, #tpu.memory_space<vmem>>, vector<1x384x256xf32>
    %get3A_254 = vector.shape_cast %get3A_253 : vector<1x384x256xf32> to vector<384x256xf32>
    %dot_general3A_255 = arith.constant dense<0.000000e+00> : vector<256x384xf32>
    %dot_general3A_256 = tpu.matmul %concatenate3A, %get3A_254, %dot_general3A_255 {dimension_numbers = #tpu.dot_dimension_numbers<[1], [1], [0], [0], [0, 0, 1, 0], [], []>, transpose_lhs_hint = false} : vector<256x256xf32>, vector<384x256xf32>, vector<256x384xf32> -> vector<256x384xf32>
    %get3A_257 = arith.constant 5 : index
    %get3A_258 = arith.constant 0 : index
    %get3A_259 = vector.load %arg6[%get3A_257, %get3A_258] : memref<16x384xf32, #tpu.memory_space<vmem>>, vector<1x384xf32>
    %add3A_260 = vector.broadcast %get3A_259 : vector<1x384xf32> to vector<256x384xf32>
    %add3A_261 = arith.addf %dot_general3A_256, %add3A_260 : vector<256x384xf32>
    %mul3A_262 = vector.broadcast %convert_element_type3A_249 : vector<256x1xf32> to vector<256x384xf32>
    %mul3A_263 = arith.mulf %mul3A_262, %add3A_261 : vector<256x384xf32>
    %add3A_264 = arith.addf %add3A_229, %mul3A_263 : vector<256x384xf32>
    %get3A_265 = arith.constant 5 : index
    %get3A_266 = arith.constant 0 : index
    %get3A_267 = arith.constant 0 : index
    %get3A_268 = vector.load %arg5[%get3A_265, %get3A_266, %get3A_267] : memref<16x384x128xf32, #tpu.memory_space<vmem>>, vector<1x384x128xf32>
    %get3A_269 = vector.shape_cast %get3A_268 : vector<1x384x128xf32> to vector<384x128xf32>
    %dot_general3A_270 = arith.constant dense<0.000000e+00> : vector<256x384xf32>
    %dot_general3A_271 = tpu.matmul %dot_general3A_38, %get3A_269, %dot_general3A_270 {dimension_numbers = #tpu.dot_dimension_numbers<[1], [1], [0], [0], [0, 0, 1, 0], [], []>, transpose_lhs_hint = false} : vector<256x128xf32>, vector<384x128xf32>, vector<256x384xf32> -> vector<256x384xf32>
    %get3A_272 = arith.constant 5 : index
    %get3A_273 = arith.constant 0 : index
    %get3A_274 = vector.load %arg7[%get3A_272, %get3A_273] : memref<16x384xf32, #tpu.memory_space<vmem>>, vector<1x384xf32>
    %add3A_275 = vector.broadcast %get3A_274 : vector<1x384xf32> to vector<256x384xf32>
    %add3A_276 = arith.addf %dot_general3A_271, %add3A_275 : vector<256x384xf32>
    %mul3A_277 = vector.broadcast %convert_element_type3A_249 : vector<256x1xf32> to vector<256x384xf32>
    %mul3A_278 = arith.mulf %mul3A_277, %add3A_276 : vector<256x384xf32>
    %add3A_279 = arith.addf %add3A_244, %mul3A_278 : vector<256x384xf32>
    %eq3A_280 = arith.constant 6 : i32
    %eq3A_281 = vector.broadcast %eq3A_280 : i32 to vector<256x1xi32>
    %eq3A_282 = arith.cmpi eq, %abs3A, %eq3A_281 : vector<256x1xi32>
    %convert_element_type3A_283 = arith.extui %eq3A_282 : vector<256x1xi1> to vector<256x1xi32>
    %convert_element_type3A_284 = arith.sitofp %convert_element_type3A_283 : vector<256x1xi32> to vector<256x1xf32>
    %get3A_285 = arith.constant 6 : index
    %get3A_286 = arith.constant 0 : index
    %get3A_287 = arith.constant 0 : index
    %get3A_288 = vector.load %arg4[%get3A_285, %get3A_286, %get3A_287] : memref<16x384x256xf32, #tpu.memory_space<vmem>>, vector<1x384x256xf32>
    %get3A_289 = vector.shape_cast %get3A_288 : vector<1x384x256xf32> to vector<384x256xf32>
    %dot_general3A_290 = arith.constant dense<0.000000e+00> : vector<256x384xf32>
    %dot_general3A_291 = tpu.matmul %concatenate3A, %get3A_289, %dot_general3A_290 {dimension_numbers = #tpu.dot_dimension_numbers<[1], [1], [0], [0], [0, 0, 1, 0], [], []>, transpose_lhs_hint = false} : vector<256x256xf32>, vector<384x256xf32>, vector<256x384xf32> -> vector<256x384xf32>
    %get3A_292 = arith.constant 6 : index
    %get3A_293 = arith.constant 0 : index
    %get3A_294 = vector.load %arg6[%get3A_292, %get3A_293] : memref<16x384xf32, #tpu.memory_space<vmem>>, vector<1x384xf32>
    %add3A_295 = vector.broadcast %get3A_294 : vector<1x384xf32> to vector<256x384xf32>
    %add3A_296 = arith.addf %dot_general3A_291, %add3A_295 : vector<256x384xf32>
    %mul3A_297 = vector.broadcast %convert_element_type3A_284 : vector<256x1xf32> to vector<256x384xf32>
    %mul3A_298 = arith.mulf %mul3A_297, %add3A_296 : vector<256x384xf32>
    %add3A_299 = arith.addf %add3A_264, %mul3A_298 : vector<256x384xf32>
    %get3A_300 = arith.constant 6 : index
    %get3A_301 = arith.constant 0 : index
    %get3A_302 = arith.constant 0 : index
    %get3A_303 = vector.load %arg5[%get3A_300, %get3A_301, %get3A_302] : memref<16x384x128xf32, #tpu.memory_space<vmem>>, vector<1x384x128xf32>
    %get3A_304 = vector.shape_cast %get3A_303 : vector<1x384x128xf32> to vector<384x128xf32>
    %dot_general3A_305 = arith.constant dense<0.000000e+00> : vector<256x384xf32>
    %dot_general3A_306 = tpu.matmul %dot_general3A_38, %get3A_304, %dot_general3A_305 {dimension_numbers = #tpu.dot_dimension_numbers<[1], [1], [0], [0], [0, 0, 1, 0], [], []>, transpose_lhs_hint = false} : vector<256x128xf32>, vector<384x128xf32>, vector<256x384xf32> -> vector<256x384xf32>
    %get3A_307 = arith.constant 6 : index
    %get3A_308 = arith.constant 0 : index
    %get3A_309 = vector.load %arg7[%get3A_307, %get3A_308] : memref<16x384xf32, #tpu.memory_space<vmem>>, vector<1x384xf32>
    %add3A_310 = vector.broadcast %get3A_309 : vector<1x384xf32> to vector<256x384xf32>
    %add3A_311 = arith.addf %dot_general3A_306, %add3A_310 : vector<256x384xf32>
    %mul3A_312 = vector.broadcast %convert_element_type3A_284 : vector<256x1xf32> to vector<256x384xf32>
    %mul3A_313 = arith.mulf %mul3A_312, %add3A_311 : vector<256x384xf32>
    %add3A_314 = arith.addf %add3A_279, %mul3A_313 : vector<256x384xf32>
    %eq3A_315 = arith.constant 7 : i32
    %eq3A_316 = vector.broadcast %eq3A_315 : i32 to vector<256x1xi32>
    %eq3A_317 = arith.cmpi eq, %abs3A, %eq3A_316 : vector<256x1xi32>
    %convert_element_type3A_318 = arith.extui %eq3A_317 : vector<256x1xi1> to vector<256x1xi32>
    %convert_element_type3A_319 = arith.sitofp %convert_element_type3A_318 : vector<256x1xi32> to vector<256x1xf32>
    %get3A_320 = arith.constant 7 : index
    %get3A_321 = arith.constant 0 : index
    %get3A_322 = arith.constant 0 : index
    %get3A_323 = vector.load %arg4[%get3A_320, %get3A_321, %get3A_322] : memref<16x384x256xf32, #tpu.memory_space<vmem>>, vector<1x384x256xf32>
    %get3A_324 = vector.shape_cast %get3A_323 : vector<1x384x256xf32> to vector<384x256xf32>
    %dot_general3A_325 = arith.constant dense<0.000000e+00> : vector<256x384xf32>
    %dot_general3A_326 = tpu.matmul %concatenate3A, %get3A_324, %dot_general3A_325 {dimension_numbers = #tpu.dot_dimension_numbers<[1], [1], [0], [0], [0, 0, 1, 0], [], []>, transpose_lhs_hint = false} : vector<256x256xf32>, vector<384x256xf32>, vector<256x384xf32> -> vector<256x384xf32>
    %get3A_327 = arith.constant 7 : index
    %get3A_328 = arith.constant 0 : index
    %get3A_329 = vector.load %arg6[%get3A_327, %get3A_328] : memref<16x384xf32, #tpu.memory_space<vmem>>, vector<1x384xf32>
    %add3A_330 = vector.broadcast %get3A_329 : vector<1x384xf32> to vector<256x384xf32>
    %add3A_331 = arith.addf %dot_general3A_326, %add3A_330 : vector<256x384xf32>
    %mul3A_332 = vector.broadcast %convert_element_type3A_319 : vector<256x1xf32> to vector<256x384xf32>
    %mul3A_333 = arith.mulf %mul3A_332, %add3A_331 : vector<256x384xf32>
    %add3A_334 = arith.addf %add3A_299, %mul3A_333 : vector<256x384xf32>
    %get3A_335 = arith.constant 7 : index
    %get3A_336 = arith.constant 0 : index
    %get3A_337 = arith.constant 0 : index
    %get3A_338 = vector.load %arg5[%get3A_335, %get3A_336, %get3A_337] : memref<16x384x128xf32, #tpu.memory_space<vmem>>, vector<1x384x128xf32>
    %get3A_339 = vector.shape_cast %get3A_338 : vector<1x384x128xf32> to vector<384x128xf32>
    %dot_general3A_340 = arith.constant dense<0.000000e+00> : vector<256x384xf32>
    %dot_general3A_341 = tpu.matmul %dot_general3A_38, %get3A_339, %dot_general3A_340 {dimension_numbers = #tpu.dot_dimension_numbers<[1], [1], [0], [0], [0, 0, 1, 0], [], []>, transpose_lhs_hint = false} : vector<256x128xf32>, vector<384x128xf32>, vector<256x384xf32> -> vector<256x384xf32>
    %get3A_342 = arith.constant 7 : index
    %get3A_343 = arith.constant 0 : index
    %get3A_344 = vector.load %arg7[%get3A_342, %get3A_343] : memref<16x384xf32, #tpu.memory_space<vmem>>, vector<1x384xf32>
    %add3A_345 = vector.broadcast %get3A_344 : vector<1x384xf32> to vector<256x384xf32>
    %add3A_346 = arith.addf %dot_general3A_341, %add3A_345 : vector<256x384xf32>
    %mul3A_347 = vector.broadcast %convert_element_type3A_319 : vector<256x1xf32> to vector<256x384xf32>
    %mul3A_348 = arith.mulf %mul3A_347, %add3A_346 : vector<256x384xf32>
    %add3A_349 = arith.addf %add3A_314, %mul3A_348 : vector<256x384xf32>
    %eq3A_350 = arith.constant 8 : i32
    %eq3A_351 = vector.broadcast %eq3A_350 : i32 to vector<256x1xi32>
    %eq3A_352 = arith.cmpi eq, %abs3A, %eq3A_351 : vector<256x1xi32>
    %convert_element_type3A_353 = arith.extui %eq3A_352 : vector<256x1xi1> to vector<256x1xi32>
    %convert_element_type3A_354 = arith.sitofp %convert_element_type3A_353 : vector<256x1xi32> to vector<256x1xf32>
    %get3A_355 = arith.constant 8 : index
    %get3A_356 = arith.constant 0 : index
    %get3A_357 = arith.constant 0 : index
    %get3A_358 = vector.load %arg4[%get3A_355, %get3A_356, %get3A_357] : memref<16x384x256xf32, #tpu.memory_space<vmem>>, vector<1x384x256xf32>
    %get3A_359 = vector.shape_cast %get3A_358 : vector<1x384x256xf32> to vector<384x256xf32>
    %dot_general3A_360 = arith.constant dense<0.000000e+00> : vector<256x384xf32>
    %dot_general3A_361 = tpu.matmul %concatenate3A, %get3A_359, %dot_general3A_360 {dimension_numbers = #tpu.dot_dimension_numbers<[1], [1], [0], [0], [0, 0, 1, 0], [], []>, transpose_lhs_hint = false} : vector<256x256xf32>, vector<384x256xf32>, vector<256x384xf32> -> vector<256x384xf32>
    %get3A_362 = arith.constant 8 : index
    %get3A_363 = arith.constant 0 : index
    %get3A_364 = vector.load %arg6[%get3A_362, %get3A_363] : memref<16x384xf32, #tpu.memory_space<vmem>>, vector<1x384xf32>
    %add3A_365 = vector.broadcast %get3A_364 : vector<1x384xf32> to vector<256x384xf32>
    %add3A_366 = arith.addf %dot_general3A_361, %add3A_365 : vector<256x384xf32>
    %mul3A_367 = vector.broadcast %convert_element_type3A_354 : vector<256x1xf32> to vector<256x384xf32>
    %mul3A_368 = arith.mulf %mul3A_367, %add3A_366 : vector<256x384xf32>
    %add3A_369 = arith.addf %add3A_334, %mul3A_368 : vector<256x384xf32>
    %get3A_370 = arith.constant 8 : index
    %get3A_371 = arith.constant 0 : index
    %get3A_372 = arith.constant 0 : index
    %get3A_373 = vector.load %arg5[%get3A_370, %get3A_371, %get3A_372] : memref<16x384x128xf32, #tpu.memory_space<vmem>>, vector<1x384x128xf32>
    %get3A_374 = vector.shape_cast %get3A_373 : vector<1x384x128xf32> to vector<384x128xf32>
    %dot_general3A_375 = arith.constant dense<0.000000e+00> : vector<256x384xf32>
    %dot_general3A_376 = tpu.matmul %dot_general3A_38, %get3A_374, %dot_general3A_375 {dimension_numbers = #tpu.dot_dimension_numbers<[1], [1], [0], [0], [0, 0, 1, 0], [], []>, transpose_lhs_hint = false} : vector<256x128xf32>, vector<384x128xf32>, vector<256x384xf32> -> vector<256x384xf32>
    %get3A_377 = arith.constant 8 : index
    %get3A_378 = arith.constant 0 : index
    %get3A_379 = vector.load %arg7[%get3A_377, %get3A_378] : memref<16x384xf32, #tpu.memory_space<vmem>>, vector<1x384xf32>
    %add3A_380 = vector.broadcast %get3A_379 : vector<1x384xf32> to vector<256x384xf32>
    %add3A_381 = arith.addf %dot_general3A_376, %add3A_380 : vector<256x384xf32>
    %mul3A_382 = vector.broadcast %convert_element_type3A_354 : vector<256x1xf32> to vector<256x384xf32>
    %mul3A_383 = arith.mulf %mul3A_382, %add3A_381 : vector<256x384xf32>
    %add3A_384 = arith.addf %add3A_349, %mul3A_383 : vector<256x384xf32>
    %eq3A_385 = arith.constant 9 : i32
    %eq3A_386 = vector.broadcast %eq3A_385 : i32 to vector<256x1xi32>
    %eq3A_387 = arith.cmpi eq, %abs3A, %eq3A_386 : vector<256x1xi32>
    %convert_element_type3A_388 = arith.extui %eq3A_387 : vector<256x1xi1> to vector<256x1xi32>
    %convert_element_type3A_389 = arith.sitofp %convert_element_type3A_388 : vector<256x1xi32> to vector<256x1xf32>
    %get3A_390 = arith.constant 9 : index
    %get3A_391 = arith.constant 0 : index
    %get3A_392 = arith.constant 0 : index
    %get3A_393 = vector.load %arg4[%get3A_390, %get3A_391, %get3A_392] : memref<16x384x256xf32, #tpu.memory_space<vmem>>, vector<1x384x256xf32>
    %get3A_394 = vector.shape_cast %get3A_393 : vector<1x384x256xf32> to vector<384x256xf32>
    %dot_general3A_395 = arith.constant dense<0.000000e+00> : vector<256x384xf32>
    %dot_general3A_396 = tpu.matmul %concatenate3A, %get3A_394, %dot_general3A_395 {dimension_numbers = #tpu.dot_dimension_numbers<[1], [1], [0], [0], [0, 0, 1, 0], [], []>, transpose_lhs_hint = false} : vector<256x256xf32>, vector<384x256xf32>, vector<256x384xf32> -> vector<256x384xf32>
    %get3A_397 = arith.constant 9 : index
    %get3A_398 = arith.constant 0 : index
    %get3A_399 = vector.load %arg6[%get3A_397, %get3A_398] : memref<16x384xf32, #tpu.memory_space<vmem>>, vector<1x384xf32>
    %add3A_400 = vector.broadcast %get3A_399 : vector<1x384xf32> to vector<256x384xf32>
    %add3A_401 = arith.addf %dot_general3A_396, %add3A_400 : vector<256x384xf32>
    %mul3A_402 = vector.broadcast %convert_element_type3A_389 : vector<256x1xf32> to vector<256x384xf32>
    %mul3A_403 = arith.mulf %mul3A_402, %add3A_401 : vector<256x384xf32>
    %add3A_404 = arith.addf %add3A_369, %mul3A_403 : vector<256x384xf32>
    %get3A_405 = arith.constant 9 : index
    %get3A_406 = arith.constant 0 : index
    %get3A_407 = arith.constant 0 : index
    %get3A_408 = vector.load %arg5[%get3A_405, %get3A_406, %get3A_407] : memref<16x384x128xf32, #tpu.memory_space<vmem>>, vector<1x384x128xf32>
    %get3A_409 = vector.shape_cast %get3A_408 : vector<1x384x128xf32> to vector<384x128xf32>
    %dot_general3A_410 = arith.constant dense<0.000000e+00> : vector<256x384xf32>
    %dot_general3A_411 = tpu.matmul %dot_general3A_38, %get3A_409, %dot_general3A_410 {dimension_numbers = #tpu.dot_dimension_numbers<[1], [1], [0], [0], [0, 0, 1, 0], [], []>, transpose_lhs_hint = false} : vector<256x128xf32>, vector<384x128xf32>, vector<256x384xf32> -> vector<256x384xf32>
    %get3A_412 = arith.constant 9 : index
    %get3A_413 = arith.constant 0 : index
    %get3A_414 = vector.load %arg7[%get3A_412, %get3A_413] : memref<16x384xf32, #tpu.memory_space<vmem>>, vector<1x384xf32>
    %add3A_415 = vector.broadcast %get3A_414 : vector<1x384xf32> to vector<256x384xf32>
    %add3A_416 = arith.addf %dot_general3A_411, %add3A_415 : vector<256x384xf32>
    %mul3A_417 = vector.broadcast %convert_element_type3A_389 : vector<256x1xf32> to vector<256x384xf32>
    %mul3A_418 = arith.mulf %mul3A_417, %add3A_416 : vector<256x384xf32>
    %add3A_419 = arith.addf %add3A_384, %mul3A_418 : vector<256x384xf32>
    %eq3A_420 = arith.constant 10 : i32
    %eq3A_421 = vector.broadcast %eq3A_420 : i32 to vector<256x1xi32>
    %eq3A_422 = arith.cmpi eq, %abs3A, %eq3A_421 : vector<256x1xi32>
    %convert_element_type3A_423 = arith.extui %eq3A_422 : vector<256x1xi1> to vector<256x1xi32>
    %convert_element_type3A_424 = arith.sitofp %convert_element_type3A_423 : vector<256x1xi32> to vector<256x1xf32>
    %get3A_425 = arith.constant 10 : index
    %get3A_426 = arith.constant 0 : index
    %get3A_427 = arith.constant 0 : index
    %get3A_428 = vector.load %arg4[%get3A_425, %get3A_426, %get3A_427] : memref<16x384x256xf32, #tpu.memory_space<vmem>>, vector<1x384x256xf32>
    %get3A_429 = vector.shape_cast %get3A_428 : vector<1x384x256xf32> to vector<384x256xf32>
    %dot_general3A_430 = arith.constant dense<0.000000e+00> : vector<256x384xf32>
    %dot_general3A_431 = tpu.matmul %concatenate3A, %get3A_429, %dot_general3A_430 {dimension_numbers = #tpu.dot_dimension_numbers<[1], [1], [0], [0], [0, 0, 1, 0], [], []>, transpose_lhs_hint = false} : vector<256x256xf32>, vector<384x256xf32>, vector<256x384xf32> -> vector<256x384xf32>
    %get3A_432 = arith.constant 10 : index
    %get3A_433 = arith.constant 0 : index
    %get3A_434 = vector.load %arg6[%get3A_432, %get3A_433] : memref<16x384xf32, #tpu.memory_space<vmem>>, vector<1x384xf32>
    %add3A_435 = vector.broadcast %get3A_434 : vector<1x384xf32> to vector<256x384xf32>
    %add3A_436 = arith.addf %dot_general3A_431, %add3A_435 : vector<256x384xf32>
    %mul3A_437 = vector.broadcast %convert_element_type3A_424 : vector<256x1xf32> to vector<256x384xf32>
    %mul3A_438 = arith.mulf %mul3A_437, %add3A_436 : vector<256x384xf32>
    %add3A_439 = arith.addf %add3A_404, %mul3A_438 : vector<256x384xf32>
    %get3A_440 = arith.constant 10 : index
    %get3A_441 = arith.constant 0 : index
    %get3A_442 = arith.constant 0 : index
    %get3A_443 = vector.load %arg5[%get3A_440, %get3A_441, %get3A_442] : memref<16x384x128xf32, #tpu.memory_space<vmem>>, vector<1x384x128xf32>
    %get3A_444 = vector.shape_cast %get3A_443 : vector<1x384x128xf32> to vector<384x128xf32>
    %dot_general3A_445 = arith.constant dense<0.000000e+00> : vector<256x384xf32>
    %dot_general3A_446 = tpu.matmul %dot_general3A_38, %get3A_444, %dot_general3A_445 {dimension_numbers = #tpu.dot_dimension_numbers<[1], [1], [0], [0], [0, 0, 1, 0], [], []>, transpose_lhs_hint = false} : vector<256x128xf32>, vector<384x128xf32>, vector<256x384xf32> -> vector<256x384xf32>
    %get3A_447 = arith.constant 10 : index
    %get3A_448 = arith.constant 0 : index
    %get3A_449 = vector.load %arg7[%get3A_447, %get3A_448] : memref<16x384xf32, #tpu.memory_space<vmem>>, vector<1x384xf32>
    %add3A_450 = vector.broadcast %get3A_449 : vector<1x384xf32> to vector<256x384xf32>
    %add3A_451 = arith.addf %dot_general3A_446, %add3A_450 : vector<256x384xf32>
    %mul3A_452 = vector.broadcast %convert_element_type3A_424 : vector<256x1xf32> to vector<256x384xf32>
    %mul3A_453 = arith.mulf %mul3A_452, %add3A_451 : vector<256x384xf32>
    %add3A_454 = arith.addf %add3A_419, %mul3A_453 : vector<256x384xf32>
    %eq3A_455 = arith.constant 11 : i32
    %eq3A_456 = vector.broadcast %eq3A_455 : i32 to vector<256x1xi32>
    %eq3A_457 = arith.cmpi eq, %abs3A, %eq3A_456 : vector<256x1xi32>
    %convert_element_type3A_458 = arith.extui %eq3A_457 : vector<256x1xi1> to vector<256x1xi32>
    %convert_element_type3A_459 = arith.sitofp %convert_element_type3A_458 : vector<256x1xi32> to vector<256x1xf32>
    %get3A_460 = arith.constant 11 : index
    %get3A_461 = arith.constant 0 : index
    %get3A_462 = arith.constant 0 : index
    %get3A_463 = vector.load %arg4[%get3A_460, %get3A_461, %get3A_462] : memref<16x384x256xf32, #tpu.memory_space<vmem>>, vector<1x384x256xf32>
    %get3A_464 = vector.shape_cast %get3A_463 : vector<1x384x256xf32> to vector<384x256xf32>
    %dot_general3A_465 = arith.constant dense<0.000000e+00> : vector<256x384xf32>
    %dot_general3A_466 = tpu.matmul %concatenate3A, %get3A_464, %dot_general3A_465 {dimension_numbers = #tpu.dot_dimension_numbers<[1], [1], [0], [0], [0, 0, 1, 0], [], []>, transpose_lhs_hint = false} : vector<256x256xf32>, vector<384x256xf32>, vector<256x384xf32> -> vector<256x384xf32>
    %get3A_467 = arith.constant 11 : index
    %get3A_468 = arith.constant 0 : index
    %get3A_469 = vector.load %arg6[%get3A_467, %get3A_468] : memref<16x384xf32, #tpu.memory_space<vmem>>, vector<1x384xf32>
    %add3A_470 = vector.broadcast %get3A_469 : vector<1x384xf32> to vector<256x384xf32>
    %add3A_471 = arith.addf %dot_general3A_466, %add3A_470 : vector<256x384xf32>
    %mul3A_472 = vector.broadcast %convert_element_type3A_459 : vector<256x1xf32> to vector<256x384xf32>
    %mul3A_473 = arith.mulf %mul3A_472, %add3A_471 : vector<256x384xf32>
    %add3A_474 = arith.addf %add3A_439, %mul3A_473 : vector<256x384xf32>
    %get3A_475 = arith.constant 11 : index
    %get3A_476 = arith.constant 0 : index
    %get3A_477 = arith.constant 0 : index
    %get3A_478 = vector.load %arg5[%get3A_475, %get3A_476, %get3A_477] : memref<16x384x128xf32, #tpu.memory_space<vmem>>, vector<1x384x128xf32>
    %get3A_479 = vector.shape_cast %get3A_478 : vector<1x384x128xf32> to vector<384x128xf32>
    %dot_general3A_480 = arith.constant dense<0.000000e+00> : vector<256x384xf32>
    %dot_general3A_481 = tpu.matmul %dot_general3A_38, %get3A_479, %dot_general3A_480 {dimension_numbers = #tpu.dot_dimension_numbers<[1], [1], [0], [0], [0, 0, 1, 0], [], []>, transpose_lhs_hint = false} : vector<256x128xf32>, vector<384x128xf32>, vector<256x384xf32> -> vector<256x384xf32>
    %get3A_482 = arith.constant 11 : index
    %get3A_483 = arith.constant 0 : index
    %get3A_484 = vector.load %arg7[%get3A_482, %get3A_483] : memref<16x384xf32, #tpu.memory_space<vmem>>, vector<1x384xf32>
    %add3A_485 = vector.broadcast %get3A_484 : vector<1x384xf32> to vector<256x384xf32>
    %add3A_486 = arith.addf %dot_general3A_481, %add3A_485 : vector<256x384xf32>
    %mul3A_487 = vector.broadcast %convert_element_type3A_459 : vector<256x1xf32> to vector<256x384xf32>
    %mul3A_488 = arith.mulf %mul3A_487, %add3A_486 : vector<256x384xf32>
    %add3A_489 = arith.addf %add3A_454, %mul3A_488 : vector<256x384xf32>
    %eq3A_490 = arith.constant 12 : i32
    %eq3A_491 = vector.broadcast %eq3A_490 : i32 to vector<256x1xi32>
    %eq3A_492 = arith.cmpi eq, %abs3A, %eq3A_491 : vector<256x1xi32>
    %convert_element_type3A_493 = arith.extui %eq3A_492 : vector<256x1xi1> to vector<256x1xi32>
    %convert_element_type3A_494 = arith.sitofp %convert_element_type3A_493 : vector<256x1xi32> to vector<256x1xf32>
    %get3A_495 = arith.constant 12 : index
    %get3A_496 = arith.constant 0 : index
    %get3A_497 = arith.constant 0 : index
    %get3A_498 = vector.load %arg4[%get3A_495, %get3A_496, %get3A_497] : memref<16x384x256xf32, #tpu.memory_space<vmem>>, vector<1x384x256xf32>
    %get3A_499 = vector.shape_cast %get3A_498 : vector<1x384x256xf32> to vector<384x256xf32>
    %dot_general3A_500 = arith.constant dense<0.000000e+00> : vector<256x384xf32>
    %dot_general3A_501 = tpu.matmul %concatenate3A, %get3A_499, %dot_general3A_500 {dimension_numbers = #tpu.dot_dimension_numbers<[1], [1], [0], [0], [0, 0, 1, 0], [], []>, transpose_lhs_hint = false} : vector<256x256xf32>, vector<384x256xf32>, vector<256x384xf32> -> vector<256x384xf32>
    %get3A_502 = arith.constant 12 : index
    %get3A_503 = arith.constant 0 : index
    %get3A_504 = vector.load %arg6[%get3A_502, %get3A_503] : memref<16x384xf32, #tpu.memory_space<vmem>>, vector<1x384xf32>
    %add3A_505 = vector.broadcast %get3A_504 : vector<1x384xf32> to vector<256x384xf32>
    %add3A_506 = arith.addf %dot_general3A_501, %add3A_505 : vector<256x384xf32>
    %mul3A_507 = vector.broadcast %convert_element_type3A_494 : vector<256x1xf32> to vector<256x384xf32>
    %mul3A_508 = arith.mulf %mul3A_507, %add3A_506 : vector<256x384xf32>
    %add3A_509 = arith.addf %add3A_474, %mul3A_508 : vector<256x384xf32>
    %get3A_510 = arith.constant 12 : index
    %get3A_511 = arith.constant 0 : index
    %get3A_512 = arith.constant 0 : index
    %get3A_513 = vector.load %arg5[%get3A_510, %get3A_511, %get3A_512] : memref<16x384x128xf32, #tpu.memory_space<vmem>>, vector<1x384x128xf32>
    %get3A_514 = vector.shape_cast %get3A_513 : vector<1x384x128xf32> to vector<384x128xf32>
    %dot_general3A_515 = arith.constant dense<0.000000e+00> : vector<256x384xf32>
    %dot_general3A_516 = tpu.matmul %dot_general3A_38, %get3A_514, %dot_general3A_515 {dimension_numbers = #tpu.dot_dimension_numbers<[1], [1], [0], [0], [0, 0, 1, 0], [], []>, transpose_lhs_hint = false} : vector<256x128xf32>, vector<384x128xf32>, vector<256x384xf32> -> vector<256x384xf32>
    %get3A_517 = arith.constant 12 : index
    %get3A_518 = arith.constant 0 : index
    %get3A_519 = vector.load %arg7[%get3A_517, %get3A_518] : memref<16x384xf32, #tpu.memory_space<vmem>>, vector<1x384xf32>
    %add3A_520 = vector.broadcast %get3A_519 : vector<1x384xf32> to vector<256x384xf32>
    %add3A_521 = arith.addf %dot_general3A_516, %add3A_520 : vector<256x384xf32>
    %mul3A_522 = vector.broadcast %convert_element_type3A_494 : vector<256x1xf32> to vector<256x384xf32>
    %mul3A_523 = arith.mulf %mul3A_522, %add3A_521 : vector<256x384xf32>
    %add3A_524 = arith.addf %add3A_489, %mul3A_523 : vector<256x384xf32>
    %eq3A_525 = arith.constant 13 : i32
    %eq3A_526 = vector.broadcast %eq3A_525 : i32 to vector<256x1xi32>
    %eq3A_527 = arith.cmpi eq, %abs3A, %eq3A_526 : vector<256x1xi32>
    %convert_element_type3A_528 = arith.extui %eq3A_527 : vector<256x1xi1> to vector<256x1xi32>
    %convert_element_type3A_529 = arith.sitofp %convert_element_type3A_528 : vector<256x1xi32> to vector<256x1xf32>
    %get3A_530 = arith.constant 13 : index
    %get3A_531 = arith.constant 0 : index
    %get3A_532 = arith.constant 0 : index
    %get3A_533 = vector.load %arg4[%get3A_530, %get3A_531, %get3A_532] : memref<16x384x256xf32, #tpu.memory_space<vmem>>, vector<1x384x256xf32>
    %get3A_534 = vector.shape_cast %get3A_533 : vector<1x384x256xf32> to vector<384x256xf32>
    %dot_general3A_535 = arith.constant dense<0.000000e+00> : vector<256x384xf32>
    %dot_general3A_536 = tpu.matmul %concatenate3A, %get3A_534, %dot_general3A_535 {dimension_numbers = #tpu.dot_dimension_numbers<[1], [1], [0], [0], [0, 0, 1, 0], [], []>, transpose_lhs_hint = false} : vector<256x256xf32>, vector<384x256xf32>, vector<256x384xf32> -> vector<256x384xf32>
    %get3A_537 = arith.constant 13 : index
    %get3A_538 = arith.constant 0 : index
    %get3A_539 = vector.load %arg6[%get3A_537, %get3A_538] : memref<16x384xf32, #tpu.memory_space<vmem>>, vector<1x384xf32>
    %add3A_540 = vector.broadcast %get3A_539 : vector<1x384xf32> to vector<256x384xf32>
    %add3A_541 = arith.addf %dot_general3A_536, %add3A_540 : vector<256x384xf32>
    %mul3A_542 = vector.broadcast %convert_element_type3A_529 : vector<256x1xf32> to vector<256x384xf32>
    %mul3A_543 = arith.mulf %mul3A_542, %add3A_541 : vector<256x384xf32>
    %add3A_544 = arith.addf %add3A_509, %mul3A_543 : vector<256x384xf32>
    %get3A_545 = arith.constant 13 : index
    %get3A_546 = arith.constant 0 : index
    %get3A_547 = arith.constant 0 : index
    %get3A_548 = vector.load %arg5[%get3A_545, %get3A_546, %get3A_547] : memref<16x384x128xf32, #tpu.memory_space<vmem>>, vector<1x384x128xf32>
    %get3A_549 = vector.shape_cast %get3A_548 : vector<1x384x128xf32> to vector<384x128xf32>
    %dot_general3A_550 = arith.constant dense<0.000000e+00> : vector<256x384xf32>
    %dot_general3A_551 = tpu.matmul %dot_general3A_38, %get3A_549, %dot_general3A_550 {dimension_numbers = #tpu.dot_dimension_numbers<[1], [1], [0], [0], [0, 0, 1, 0], [], []>, transpose_lhs_hint = false} : vector<256x128xf32>, vector<384x128xf32>, vector<256x384xf32> -> vector<256x384xf32>
    %get3A_552 = arith.constant 13 : index
    %get3A_553 = arith.constant 0 : index
    %get3A_554 = vector.load %arg7[%get3A_552, %get3A_553] : memref<16x384xf32, #tpu.memory_space<vmem>>, vector<1x384xf32>
    %add3A_555 = vector.broadcast %get3A_554 : vector<1x384xf32> to vector<256x384xf32>
    %add3A_556 = arith.addf %dot_general3A_551, %add3A_555 : vector<256x384xf32>
    %mul3A_557 = vector.broadcast %convert_element_type3A_529 : vector<256x1xf32> to vector<256x384xf32>
    %mul3A_558 = arith.mulf %mul3A_557, %add3A_556 : vector<256x384xf32>
    %add3A_559 = arith.addf %add3A_524, %mul3A_558 : vector<256x384xf32>
    %eq3A_560 = arith.constant 14 : i32
    %eq3A_561 = vector.broadcast %eq3A_560 : i32 to vector<256x1xi32>
    %eq3A_562 = arith.cmpi eq, %abs3A, %eq3A_561 : vector<256x1xi32>
    %convert_element_type3A_563 = arith.extui %eq3A_562 : vector<256x1xi1> to vector<256x1xi32>
    %convert_element_type3A_564 = arith.sitofp %convert_element_type3A_563 : vector<256x1xi32> to vector<256x1xf32>
    %get3A_565 = arith.constant 14 : index
    %get3A_566 = arith.constant 0 : index
    %get3A_567 = arith.constant 0 : index
    %get3A_568 = vector.load %arg4[%get3A_565, %get3A_566, %get3A_567] : memref<16x384x256xf32, #tpu.memory_space<vmem>>, vector<1x384x256xf32>
    %get3A_569 = vector.shape_cast %get3A_568 : vector<1x384x256xf32> to vector<384x256xf32>
    %dot_general3A_570 = arith.constant dense<0.000000e+00> : vector<256x384xf32>
    %dot_general3A_571 = tpu.matmul %concatenate3A, %get3A_569, %dot_general3A_570 {dimension_numbers = #tpu.dot_dimension_numbers<[1], [1], [0], [0], [0, 0, 1, 0], [], []>, transpose_lhs_hint = false} : vector<256x256xf32>, vector<384x256xf32>, vector<256x384xf32> -> vector<256x384xf32>
    %get3A_572 = arith.constant 14 : index
    %get3A_573 = arith.constant 0 : index
    %get3A_574 = vector.load %arg6[%get3A_572, %get3A_573] : memref<16x384xf32, #tpu.memory_space<vmem>>, vector<1x384xf32>
    %add3A_575 = vector.broadcast %get3A_574 : vector<1x384xf32> to vector<256x384xf32>
    %add3A_576 = arith.addf %dot_general3A_571, %add3A_575 : vector<256x384xf32>
    %mul3A_577 = vector.broadcast %convert_element_type3A_564 : vector<256x1xf32> to vector<256x384xf32>
    %mul3A_578 = arith.mulf %mul3A_577, %add3A_576 : vector<256x384xf32>
    %add3A_579 = arith.addf %add3A_544, %mul3A_578 : vector<256x384xf32>
    %get3A_580 = arith.constant 14 : index
    %get3A_581 = arith.constant 0 : index
    %get3A_582 = arith.constant 0 : index
    %get3A_583 = vector.load %arg5[%get3A_580, %get3A_581, %get3A_582] : memref<16x384x128xf32, #tpu.memory_space<vmem>>, vector<1x384x128xf32>
    %get3A_584 = vector.shape_cast %get3A_583 : vector<1x384x128xf32> to vector<384x128xf32>
    %dot_general3A_585 = arith.constant dense<0.000000e+00> : vector<256x384xf32>
    %dot_general3A_586 = tpu.matmul %dot_general3A_38, %get3A_584, %dot_general3A_585 {dimension_numbers = #tpu.dot_dimension_numbers<[1], [1], [0], [0], [0, 0, 1, 0], [], []>, transpose_lhs_hint = false} : vector<256x128xf32>, vector<384x128xf32>, vector<256x384xf32> -> vector<256x384xf32>
    %get3A_587 = arith.constant 14 : index
    %get3A_588 = arith.constant 0 : index
    %get3A_589 = vector.load %arg7[%get3A_587, %get3A_588] : memref<16x384xf32, #tpu.memory_space<vmem>>, vector<1x384xf32>
    %add3A_590 = vector.broadcast %get3A_589 : vector<1x384xf32> to vector<256x384xf32>
    %add3A_591 = arith.addf %dot_general3A_586, %add3A_590 : vector<256x384xf32>
    %mul3A_592 = vector.broadcast %convert_element_type3A_564 : vector<256x1xf32> to vector<256x384xf32>
    %mul3A_593 = arith.mulf %mul3A_592, %add3A_591 : vector<256x384xf32>
    %add3A_594 = arith.addf %add3A_559, %mul3A_593 : vector<256x384xf32>
    %eq3A_595 = arith.constant 15 : i32
    %eq3A_596 = vector.broadcast %eq3A_595 : i32 to vector<256x1xi32>
    %eq3A_597 = arith.cmpi eq, %abs3A, %eq3A_596 : vector<256x1xi32>
    %convert_element_type3A_598 = arith.extui %eq3A_597 : vector<256x1xi1> to vector<256x1xi32>
    %convert_element_type3A_599 = arith.sitofp %convert_element_type3A_598 : vector<256x1xi32> to vector<256x1xf32>
    %get3A_600 = arith.constant 15 : index
    %get3A_601 = arith.constant 0 : index
    %get3A_602 = arith.constant 0 : index
    %get3A_603 = vector.load %arg4[%get3A_600, %get3A_601, %get3A_602] : memref<16x384x256xf32, #tpu.memory_space<vmem>>, vector<1x384x256xf32>
    %get3A_604 = vector.shape_cast %get3A_603 : vector<1x384x256xf32> to vector<384x256xf32>
    %dot_general3A_605 = arith.constant dense<0.000000e+00> : vector<256x384xf32>
    %dot_general3A_606 = tpu.matmul %concatenate3A, %get3A_604, %dot_general3A_605 {dimension_numbers = #tpu.dot_dimension_numbers<[1], [1], [0], [0], [0, 0, 1, 0], [], []>, transpose_lhs_hint = false} : vector<256x256xf32>, vector<384x256xf32>, vector<256x384xf32> -> vector<256x384xf32>
    %get3A_607 = arith.constant 15 : index
    %get3A_608 = arith.constant 0 : index
    %get3A_609 = vector.load %arg6[%get3A_607, %get3A_608] : memref<16x384xf32, #tpu.memory_space<vmem>>, vector<1x384xf32>
    %add3A_610 = vector.broadcast %get3A_609 : vector<1x384xf32> to vector<256x384xf32>
    %add3A_611 = arith.addf %dot_general3A_606, %add3A_610 : vector<256x384xf32>
    %mul3A_612 = vector.broadcast %convert_element_type3A_599 : vector<256x1xf32> to vector<256x384xf32>
    %mul3A_613 = arith.mulf %mul3A_612, %add3A_611 : vector<256x384xf32>
    %add3A_614 = arith.addf %add3A_579, %mul3A_613 : vector<256x384xf32>
    %get3A_615 = arith.constant 15 : index
    %get3A_616 = arith.constant 0 : index
    %get3A_617 = arith.constant 0 : index
    %get3A_618 = vector.load %arg5[%get3A_615, %get3A_616, %get3A_617] : memref<16x384x128xf32, #tpu.memory_space<vmem>>, vector<1x384x128xf32>
    %get3A_619 = vector.shape_cast %get3A_618 : vector<1x384x128xf32> to vector<384x128xf32>
    %dot_general3A_620 = arith.constant dense<0.000000e+00> : vector<256x384xf32>
    %dot_general3A_621 = tpu.matmul %dot_general3A_38, %get3A_619, %dot_general3A_620 {dimension_numbers = #tpu.dot_dimension_numbers<[1], [1], [0], [0], [0, 0, 1, 0], [], []>, transpose_lhs_hint = false} : vector<256x128xf32>, vector<384x128xf32>, vector<256x384xf32> -> vector<256x384xf32>
    %get3A_622 = arith.constant 15 : index
    %get3A_623 = arith.constant 0 : index
    %get3A_624 = vector.load %arg7[%get3A_622, %get3A_623] : memref<16x384xf32, #tpu.memory_space<vmem>>, vector<1x384xf32>
    %add3A_625 = vector.broadcast %get3A_624 : vector<1x384xf32> to vector<256x384xf32>
    %add3A_626 = arith.addf %dot_general3A_621, %add3A_625 : vector<256x384xf32>
    %mul3A_627 = vector.broadcast %convert_element_type3A_599 : vector<256x1xf32> to vector<256x384xf32>
    %mul3A_628 = arith.mulf %mul3A_627, %add3A_626 : vector<256x384xf32>
    %add3A_629 = arith.addf %add3A_594, %mul3A_628 : vector<256x384xf32>
    %slice3A = vector.extract_strided_slice %add3A_614 {offsets = [0, 0], sizes = [256, 128], strides = [1, 1]} : vector<256x384xf32> to vector<256x128xf32>
    %slice3A_630 = vector.extract_strided_slice %add3A_629 {offsets = [0, 0], sizes = [256, 128], strides = [1, 1]} : vector<256x384xf32> to vector<256x128xf32>
    %add3A_631 = arith.addf %slice3A, %slice3A_630 : vector<256x128xf32>
    %logistic3A = arith.negf %add3A_631 : vector<256x128xf32>
    %logistic3A_632 = math.exp %logistic3A : vector<256x128xf32>
    %logistic3A_633 = arith.constant 1.000000e+00 : f32
    %logistic3A_634 = vector.broadcast %logistic3A_633 : f32 to vector<256x128xf32>
    %logistic3A_635 = arith.addf %logistic3A_634, %logistic3A_632 : vector<256x128xf32>
    %logistic3A_636 = arith.divf %logistic3A_634, %logistic3A_635 : vector<256x128xf32>
    %slice3A_637 = vector.extract_strided_slice %add3A_614 {offsets = [0, 128], sizes = [256, 128], strides = [1, 1]} : vector<256x384xf32> to vector<256x128xf32>
    %slice3A_638 = vector.extract_strided_slice %add3A_629 {offsets = [0, 128], sizes = [256, 128], strides = [1, 1]} : vector<256x384xf32> to vector<256x128xf32>
    %add3A_639 = arith.addf %slice3A_637, %slice3A_638 : vector<256x128xf32>
    %logistic3A_640 = arith.negf %add3A_639 : vector<256x128xf32>
    %logistic3A_641 = math.exp %logistic3A_640 : vector<256x128xf32>
    %logistic3A_642 = arith.constant 1.000000e+00 : f32
    %logistic3A_643 = vector.broadcast %logistic3A_642 : f32 to vector<256x128xf32>
    %logistic3A_644 = arith.addf %logistic3A_643, %logistic3A_641 : vector<256x128xf32>
    %logistic3A_645 = arith.divf %logistic3A_643, %logistic3A_644 : vector<256x128xf32>
    %slice3A_646 = vector.extract_strided_slice %add3A_614 {offsets = [0, 256], sizes = [256, 128], strides = [1, 1]} : vector<256x384xf32> to vector<256x128xf32>
    %slice3A_647 = vector.extract_strided_slice %add3A_629 {offsets = [0, 256], sizes = [256, 128], strides = [1, 1]} : vector<256x384xf32> to vector<256x128xf32>
    %mul3A_648 = arith.mulf %logistic3A_636, %slice3A_647 : vector<256x128xf32>
    %add3A_649 = arith.addf %slice3A_646, %mul3A_648 : vector<256x128xf32>
    %tanh3A = math.tanh %add3A_649 : vector<256x128xf32>
    %sub3A_650 = arith.constant 1.000000e+00 : f32
    %sub3A_651 = vector.broadcast %sub3A_650 : f32 to vector<256x128xf32>
    %sub3A_652 = arith.subf %sub3A_651, %logistic3A_645 : vector<256x128xf32>
    %mul3A_653 = arith.mulf %sub3A_652, %tanh3A : vector<256x128xf32>
    %mul3A_654 = arith.mulf %logistic3A_645, %dot_general3A_38 : vector<256x128xf32>
    %add3A_655 = arith.addf %mul3A_653, %mul3A_654 : vector<256x128xf32>
    %mul3A_656 = arith.constant 50000 : i32
    %mul3A_657 = vector.broadcast %mul3A_656 : i32 to vector<256x1xi32>
    %mul3A_658 = arith.muli %abs3A, %mul3A_657 : vector<256x1xi32>
    %add3A_659 = arith.addi %mul3A_658, %get3A_5 : vector<256x1xi32>
    %convert_element_type3A_660 = arith.sitofp %add3A_659 : vector<256x1xi32> to vector<256x1xf32>
    %iota3A_661 = tpu.iota {dimensions = array<i32: 0>} : vector<256x256xi32>
    %iota3A_662 = tpu.iota {dimensions = array<i32: 1>} : vector<256x256xi32>
    %eq3A_663 = arith.cmpi eq, %iota3A_661, %iota3A_662 : vector<256x256xi32>
    %convert_element_type3A_664 = arith.extui %eq3A_663 : vector<256x256xi1> to vector<256x256xi32>
    %convert_element_type3A_665 = arith.sitofp %convert_element_type3A_664 : vector<256x256xi32> to vector<256x256xf32>
    %dot_general3A_666 = arith.constant dense<0.000000e+00> : vector<1x256xf32>
    %dot_general3A_667 = tpu.matmul %convert_element_type3A_660, %convert_element_type3A_665, %dot_general3A_666 {dimension_numbers = #tpu.dot_dimension_numbers<[0], [0], [1], [1], [0, 1, 1, 1], [], []>, precision = #tpu.contract_precision<fp32>, transpose_lhs_hint = false} : vector<256x1xf32>, vector<256x256xf32>, vector<1x256xf32> -> vector<1x256xf32>
    %eq3A_668 = vector.broadcast %convert_element_type3A_660 : vector<256x1xf32> to vector<256x256xf32>
    %eq3A_669 = vector.broadcast %dot_general3A_667 : vector<1x256xf32> to vector<256x256xf32>
    %eq3A_670 = arith.cmpf oeq, %eq3A_668, %eq3A_669 : vector<256x256xf32>
    %iota3A_671 = tpu.iota {dimensions = array<i32: 1>} : vector<256x256xi32>
    %jit3A = arith.constant -1 : i32
    %broadcast_in_dim3A_672 = vector.broadcast %jit3A : i32 to vector<256x256xi32>
    %select_n3A_673 = arith.select %eq3A_670, %iota3A_671, %broadcast_in_dim3A_672 : vector<256x256xi1>, vector<256x256xi32>
    %reduce_max3A = arith.constant dense<-2147483648> : vector<256xi32>
    %reduce_max3A_674 = vector.multi_reduction <maxsi>, %select_n3A_673, %reduce_max3A [1] : vector<256x256xi32> to vector<256xi32>
    %broadcast_in_dim3A_675 = vector.shape_cast %reduce_max3A_674 : vector<256xi32> to vector<256x1xi32>
    %eq3A_676 = vector.broadcast %broadcast_in_dim3A_675 : vector<256x1xi32> to vector<256x256xi32>
    %eq3A_677 = arith.cmpi eq, %iota3A_671, %eq3A_676 : vector<256x256xi32>
    %and3A = arith.andi %eq3A_670, %eq3A_677 : vector<256x256xi1>
    %convert_element_type3A_678 = arith.extui %and3A : vector<256x256xi1> to vector<256x256xi32>
    %convert_element_type3A_679 = arith.sitofp %convert_element_type3A_678 : vector<256x256xi32> to vector<256x256xf32>
    %dot_general3A_680 = arith.constant dense<0.000000e+00> : vector<256x128xf32>
    %dot_general3A_681 = tpu.matmul %convert_element_type3A_679, %add3A_655, %dot_general3A_680 {dimension_numbers = #tpu.dot_dimension_numbers<[1], [0], [0], [1], [0, 0, 1, 1], [], []>, precision = #tpu.contract_precision<fp32>, transpose_lhs_hint = false} : vector<256x256xf32>, vector<256x128xf32>, vector<256x128xf32> -> vector<256x128xf32>
    %swap3A = arith.constant 0 : index
    %swap3A_682 = arith.constant 0 : index
    %swap3A_683 = vector.load %arg10[%swap3A, %swap3A_682] : memref<256x128xf32, #tpu.memory_space<vmem>>, vector<256x128xf32>
    tpu.vector_store %arg10[%swap3A, %swap3A_682], %dot_general3A_681 {strides = array<i32>} : memref<256x128xf32, #tpu.memory_space<vmem>>, vector<256x128xf32>,
    %swap3A_684 = arith.constant 0 : index
    %swap3A_685 = arith.constant 0 : index
    %swap3A_686 = vector.load %arg11[%swap3A_684, %swap3A_685] : memref<256x1xi32, #tpu.memory_space<vmem>>, vector<256x1xi32>
    tpu.vector_store %arg11[%swap3A_684, %swap3A_685], %add3A_659 {strides = array<i32>} : memref<256x1xi32, #tpu.memory_space<vmem>>, vector<256x1xi32>,
    return
  }
  func.func @transform_0(%arg0: i32) -> (i32, i32, i32) {
    %c0_i32 = arith.constant 0 : i32
    %c0_i32_0 = arith.constant 0 : i32
    %c0_i32_1 = arith.constant 0 : i32
    %c0_i32_2 = arith.constant 0 : i32
    return %c0_i32, %c0_i32_0, %c0_i32_1 : i32, i32, i32
  }
  func.func @transform_1(%arg0: i32) -> (i32, i32) {
    %c0_i32 = arith.constant 0 : i32
    %c0_i32_0 = arith.constant 0 : i32
    %c0_i32_1 = arith.constant 0 : i32
    return %c0_i32, %c0_i32_0 : i32, i32
  }
  func.func @transform_2(%arg0: i32) -> (i32, i32) {
    %c0_i32 = arith.constant 0 : i32
    %c0_i32_0 = arith.constant 0 : i32
    %c0_i32_1 = arith.constant 0 : i32
    return %c0_i32, %c0_i32_0 : i32, i32
  }
  func.func @transform_3(%arg0: i32) -> (i32, i32, i32) {
    %c0_i32 = arith.constant 0 : i32
    %c0_i32_0 = arith.constant 0 : i32
    %c0_i32_1 = arith.constant 0 : i32
    %c0_i32_2 = arith.constant 0 : i32
    return %c0_i32, %c0_i32_0, %c0_i32_1 : i32, i32, i32
  }
  func.func @transform_4(%arg0: i32) -> (i32, i32, i32) {
    %c0_i32 = arith.constant 0 : i32
    %c0_i32_0 = arith.constant 0 : i32
    %c0_i32_1 = arith.constant 0 : i32
    %c0_i32_2 = arith.constant 0 : i32
    return %c0_i32, %c0_i32_0, %c0_i32_1 : i32, i32, i32
  }
  func.func @transform_5(%arg0: i32) -> (i32, i32) {
    %c0_i32 = arith.constant 0 : i32
    %c0_i32_0 = arith.constant 0 : i32
    %c0_i32_1 = arith.constant 0 : i32
    return %c0_i32, %c0_i32_0 : i32, i32
  }
  func.func @transform_6(%arg0: i32) -> (i32, i32) {
    %c0_i32 = arith.constant 0 : i32
    %c0_i32_0 = arith.constant 0 : i32
    %c0_i32_1 = arith.constant 0 : i32
    return %c0_i32, %c0_i32_0 : i32, i32
  }
  func.func @transform_7(%arg0: i32) -> (i32, i32) {
    %c0_i32 = arith.constant 0 : i32
    %c0_i32_0 = arith.constant 0 : i32
    %c0_i32_1 = arith.constant 0 : i32
    return %c0_i32, %c0_i32_0 : i32, i32
  }
  func.func @transform_8(%arg0: i32) -> (i32, i32) {
    %c0_i32 = arith.constant 0 : i32
    %c0_i32_0 = arith.constant 0 : i32
    %c0_i32_1 = arith.constant 0 : i32
    return %c0_i32, %c0_i32_0 : i32, i32
  }
  func.func @transform_9(%arg0: i32) -> (i32, i32) {
    %c0_i32 = arith.constant 0 : i32
    %c0_i32_0 = arith.constant 0 : i32
    %c0_i32_1 = arith.constant 0 : i32
    return %c0_i32, %c0_i32_0 : i32, i32
  }
  func.func @transform_10(%arg0: i32) -> (i32, i32) {
    %c0_i32 = arith.constant 0 : i32
    %c0_i32_0 = arith.constant 0 : i32
    %c0_i32_1 = arith.constant 0 : i32
    return %c0_i32, %c0_i32_0 : i32, i32
  }
}

</mosaic_0001>

<sc_bundles>
// kernel: kernel.4.cloned.1.call-start
scs
__scs_entry_jumppad:
0x0: {  	(pc) =	sbr.rel $0x88, $3  }
0x1: {  	(tag) =	ssettag $0x0;
	lr =	simm.s32 $0x1  }
0x2: {  	[smem:$0x3F98] =	sst lr;
	_ =	strace $0xD0000000  }
0x3: {  	_ = 	snop  }
0x4: {  	_ = 	snop  }
0x5: {  	_ = 	snop  }
0x6: {  	_ = 	snop  }
0x7: {  	_ = 	snop  }
__scs_overlays_trampoline_lowered:
0x8: {  	[smem:$0x3FA7] =	sst s0  }
0x9: {  	[smem:$0x3FA8] =	sst s1  }
0xa: {  	[smem:$0x3FA9] =	sst s2  }
0xb: {  	[smem:$0x3FAA] =	sst s3  }
0xc: {  	[smem:$0x3FAB] =	sst s4  }
0xd: {  	[smem:$0x3FAC] =	sst s5  }
0xe: {  	[smem:$0x3FAD] =	sst s6  }
0xf: {  	[smem:$0x3FAE] =	sst s7  }
0x10: {  	[smem:$0x3FAF] =	sst s8  }
0x11: {  	[smem:$0x3FB0] =	sst s9;
	s0 =	simm.s32 @!p0 $0x0  }
0x12: {  	s1 =	sld [smem:$0x3F96];
	s0 =	simm.s32 @p0 $0x1  }
0x13: {  	[smem:$0x3FB1] =	sst s0;
	s0 =	simm.s32 @!p1 $0x0  }
0x14: {  	s2 =	sld [smem:$0x3F95];
	s0 =	simm.s32 @p1 $0x1  }
0x15: {  	[smem:$0x3FB2] =	sst s0;
	s0 =	simm.s32 @!p2 $0x0  }
0x16: {  	s3 =	sld [smem:$0x3FDB];
	s0 =	simm.s32 @p2 $0x1  }
0x17: {  	s4 =	simm.s32 $0x1BF5;
	[smem:$0x3FB4] =	sst s0  }
0x18: {  	s0 =	sld [smem:$0x3F97];
	_ =	swait.ge [sflag:s4], $0x0  }
0x19: {  	s7 =	sld [smem:$0x3F98]  }
0x1a: {  	s8 =	sadd.s32 $0xFFFFE003, lr  }
0x1b: {  	s9 =	sadd.s32 $0xFFFFFEF7, lr;
	s5 =	simm.s32 $0xFFFFFFFF;
	p2 =	slt.u32 s8, $0xFFFFF086  }
0x1c: {  	p1 =	slt.u32 s9, $0xF7A;
	s5 =	simm.s32 @!p2 $0x0  }
0x1d: {  	s5 =	simm.s32 @p1 $0x1;
	p0 =	seq.s32 s7, s2  }
0x1e: {  	s7 =	smul.u32 @!p0 $0xF7A, s2;
	p2 =	seq.s32 @!p0 s5, $0x0  }
0x1f: {  	s9 =	smul.u32 $0xF7A, s1;
	s8 =	simm.s32 @!p0 $0x1BF5;
	p2 =	por !p2, p0  }
0x20: {  	[sflag:s8] =	ssyncset.s32 @!p0 $0xFFFFF086;
	s6 =	sadd.s32 @!p0 s3, s7;
	s7 =	simm.s32 @!p0 $0x108  }
0x21: {  	s3 =	sadd.s32 s3, s9;
	s6 =	sadd.s32 @!p0 $0x88, s6;
	s7 =	simm.s32 @p2 $0x1082  }
0x22: {  	[simem:s7], [sflag:s8] =	dma.local @!p0 [hbm:s6], $0xF7A  }
0x23: {  	s9 =	sor.u32 $0xD0000000, s2;
	s6 =	simm.s32 $0x108;
	_ =	swait.ge @!p0 [sflag:s8], $0x0  }
0x24: {  	s3 =	sadd.s32 $0x88, s3;
	s6 =	simm.s32 @!p1 $0x1082;
	[sflag:s4] =	ssyncset.s32 $0xFFFFF086  }
0x25: {  	[simem:s6], [sflag:s4] =	dma.local [hbm:s3], $0xF7A  }
0x26: {  	[smem:$0x3F98] =	sst s1;
	(tag) =	ssettag s2;
	_ =	strace s9  }
0x27: {  	s1 =	sld [smem:$0x3FA8]  }
0x28: {  	s2 =	sld [smem:$0x3FA9]  }
0x29: {  	s4 =	sld [smem:$0x3FAB]  }
0x2a: {  	p0 =	seq.s32 s5, $0x0;
	s5 =	sld [smem:$0x3FAC]  }
0x2b: {  	s6 =	sld [smem:$0x3FAD]  }
0x2c: {  	s7 =	sld [smem:$0x3FAE]  }
0x2d: {  	s3 =	simm.s32 $0x108;
	s8 =	sld [smem:$0x3FAF]  }
0x2e: {  	s3 =	simm.s32 @!p0 $0x1082;
	s9 =	sld [smem:$0x3FB0]  }
0x2f: {  	lr =	sadd.s32 s0, s3;
	s0 =	sld [smem:$0x3FA7]  }
0x30: {  	s3 =	sld [smem:$0x3FAA]  }
0x31: {  	[smem:$0x3FB3] =	sst s10  }
0x32: {  	s10 =	sld [smem:$0x3FB1];
	_ =	sdelay $0x3  }
0x33: {  	p0 =	seq.s32 s10, $0x1;
	s10 =	sld [smem:$0x3FB3];
	_ =	sdelay $0x3  }
0x34: {  	[smem:$0x3FB3] =	sst s10  }
0x35: {  	s10 =	sld [smem:$0x3FB2];
	_ =	sdelay $0x3  }
0x36: {  	p1 =	seq.s32 s10, $0x1;
	s10 =	sld [smem:$0x3FB3];
	_ =	sdelay $0x3  }
0x37: {  	[smem:$0x3FB3] =	sst s10  }
0x38: {  	s10 =	sld [smem:$0x3FB4]  }
0x39: {  	_ = 	snop;
	(pc) =	sbr.ind lr, $3  }
0x3a: {  	_ = 	snop  }
0x3b: {  	_ = 	snop  }
0x3c: {  	p2 =	seq.s32 s10, $0x1;
	s10 =	sld [smem:$0x3FB3]  }
0x3d: {  	_ =	shalt  }
0x3e: {  	_ =	shalt  }
0x3f: {  	_ =	shalt  }
0x40: {  	_ =	shalt  }
0x41: {  	_ =	shalt  }
0x42: {  	_ =	shalt  }
0x43: {  	_ =	shalt  }
0x44: {  	_ =	shalt  }
0x45: {  	_ =	shalt  }
0x46: {  	_ =	shalt  }
0x47: {  	_ =	shalt  }
0x48: {  	_ =	shalt  }
0x49: {  	_ =	shalt  }
0x4a: {  	_ =	shalt  }
0x4b: {  	_ =	shalt  }
0x4c: {  	_ =	shalt  }
0x4d: {  	_ =	shalt  }
0x4e: {  	_ =	shalt  }
0x4f: {  	_ =	shalt  }
0x50: {  	_ =	shalt  }
0x51: {  	_ =	shalt  }
0x52: {  	_ =	shalt  }
0x53: {  	_ =	shalt  }
0x54: {  	_ =	shalt  }
0x55: {  	_ =	shalt  }
0x56: {  	_ =	shalt  }
0x57: {  	_ =	shalt  }
0x58: {  	_ =	shalt  }
0x59: {  	_ =	shalt  }
0x5a: {  	_ =	shalt  }
0x5b: {  	_ =	shalt  }
0x5c: {  	_ =	shalt  }
0x5d: {  	_ =	shalt  }
0x5e: {  	_ =	shalt  }
0x5f: {  	_ =	shalt  }
0x60: {  	_ =	shalt  }
0x61: {  	_ =	shalt  }
0x62: {  	_ =	shalt  }
0x63: {  	_ =	shalt  }
0x64: {  	_ =	shalt  }
0x65: {  	_ =	shalt  }
0x66: {  	_ =	shalt  }
0x67: {  	_ =	shalt  }
0x68: {  	_ =	shalt  }
0x69: {  	_ =	shalt  }
0x6a: {  	_ =	shalt  }
0x6b: {  	_ =	shalt  }
0x6c: {  	_ =	shalt  }
0x6d: {  	_ =	shalt  }
0x6e: {  	_ =	shalt  }
0x6f: {  	_ =	shalt  }
0x70: {  	_ =	shalt  }
0x71: {  	_ =	shalt  }
0x72: {  	_ =	shalt  }
0x73: {  	_ =	shalt  }
0x74: {  	_ =	shalt  }
0x75: {  	_ =	shalt  }
0x76: {  	_ =	shalt  }
0x77: {  	_ =	shalt  }
0x78: {  	_ =	shalt  }
0x79: {  	_ =	shalt  }
0x7a: {  	_ =	shalt  }
0x7b: {  	_ =	shalt  }
0x7c: {  	_ =	shalt  }
0x7d: {  	_ =	shalt  }
0x7e: {  	_ =	shalt  }
0x7f: {  	_ =	shalt  }
0x80: {  	_ =	shalt  }
0x81: {  	_ =	shalt  }
0x82: {  	_ =	shalt  }
0x83: {  	_ =	shalt  }
0x84: {  	_ =	shalt  }
0x85: {  	_ =	shalt  }
0x86: {  	_ =	shalt  }
0x87: {  	_ =	shalt  }
.Lfunc_end0:
.L_simem_size_0:
called_computation_lowered:
.L_overlay_start_0:
0x88: {  	s2 =	sld [smem:$0x3FD9]  }
0x89: {  	s3 =	sld [smem:$0x3FFE];
	_ =	sdelay $0x1  }
0x8a: {  	s1 =	srdreg.scid  }
0x8b: {  	s0 =	sand.u32 $0x1, s1  }
0x8c: {  	s14 =	sshll.u32 s0, $0xA;
	s2 =	sadd.s32 s3, s2  }
0x8d: {  	s2 =	sadd.s32 s2, s14  }
0x8e: {  	[smem:$0x3FBF] =	sst s2  }
0x8f: {  	_ = 	snop  }
0x90: {  	s2 =	sld [smem:$0x3FD0];
	_ =	sdelay $0x2  }
0x91: {  	s15 =	simm.s32 $0xA;
	s4 =	simm.s32 $0x10  }
0x92: {  	[smem:s4], [sflag:s15] =	dma.local [hbm:s2], $0x1  }
0x93: {  	_ =	swait.eq [sflag:s15], $0x1  }
0x94: {  	[sflag:s15] =	ssyncset.done $0x0  }
0x95: {  	[sflag:s15] =	ssyncadd.s32 $0xFFFFFFFF  }
0x96: {  	s16 =	sld [smem:$0x10];
	(tm) =	ssettm $0x1  }
0x97: {  	s17 =	sld [smem:$0x3FFB];
	_ =	sdelay $0x3  }
0x98: {  	_ =	strace s17  }
0x99: {  	s3 =	sld [smem:$0x3FFC];
	_ =	sdelay $0x3  }
0x9a: {  	_ =	strace s3  }
0x9b: {  	s3 =	sld [smem:$0x3FFD];
	_ =	sdelay $0x3  }
0x9c: {  	_ =	strace s3  }
0x9d: {  	_ =	strace $0x8FFFFFFF  }
0x9e: {  	s18 =	sld [smem:$0x3FDB];
	_ =	sdelay $0x1  }
0x9f: {  	s19 =	simm.s32 $_scs_section_size  }
0xa0: {  	s5 =	simm.s32 $_size__tile_overlayer_lowered;
	s6 =	simm.s32 $_tile_overlayer_lowered  }
0xa1: {  	s22 =	simm.s32 $0x1BFF;
	s21 =	sshll.u32 s6, $0x1;
	s3 =	sadd.s32 s19, s18  }
0xa2: {  	s7 =	simm.s32 $0x0;
	s20 =	sshll.u32 s5, $0x1;
	s5 =	sadd.s32 s21, s3  }
0xa3: {  	[timem:s7], [sflag:s22] =	dma.local [hbm:s5], s20  }
0xa4: {  	_ =	swait.ge [sflag:s22], s20  }
0xa5: {  	s4 =	ssub.s32 $0x0, s20;
	[sflag:s22] =	ssyncset.done $0x0  }
0xa6: {  	[sflag:s22] =	ssyncadd.s32 s4;
	_ =	sdelay $0x1  }
0xa7: {  	s23 =	simm.s32 $0x1B8B  }
0xa8: {  	_ =	swait.ge [sflag:s23], $0x1  }
0xa9: {  	[sflag:s23] =	ssyncset.done $0x0  }
0xaa: {  	s25 =	simm.s32 $0x1B8E;
	s24 =	sld [smem:$0x3FFE];
	[sflag:s23] =	ssyncadd.s32 $0xFFFFFFFF  }
0xab: {  	s26 =	simm.s32 $execute0_lowered;
	[smem:$0x3FD2] =	sst s25  }
0xac: {  	s5 =	sshll.u32 s26, $0x1;
	_ =	strace $0x80000046;
	[dreg:$0x1] =	wrdreg $0xFFFFFFFF  }
0xad: {  	s28 =	simm.s32 $_size_execute0_lowered;
	s3 =	sadd.s32 s3, s5;
	[dreg:$0x0] =	wrdreg $0x0  }
0xae: {  	s5 =	sshll.u32 s28, $0x1;
	[dreg:$0x2] =	wrdreg s3  }
0xaf: {  	[dreg:$0x3] =	wrdreg s5  }
0xb0: {  	[dreg:$0x4] =	wrdreg $0xC0  }
0xb1: {  	_ =	task [dreg:s7], $0x5FFFF  }
0xb2: {  	[dreg:$0x1] =	wrdreg $0xFFFFFFFF  }
0xb3: {  	[dreg:$0x0] =	wrdreg $0x60  }
0xb4: {  	[dreg:$0x2] =	wrdreg s24  }
0xb5: {  	[dreg:$0x3] =	wrdreg s16  }
0xb6: {  	[dreg:$0x4] =	wrdreg $0x9  }
0xb7: {  	_ =	task.clear_ibuf [dreg:s7], $0x5FFFF;
	_ =	strace $0x90000046  }
0xb8: {  	s29 =	simm.s32 $0x9;
	_ =	strace $0x80000048  }
0xb9: {  	_ =	swait.ge [sflag:s29], $0x1  }
0xba: {  	[sflag:s29] =	ssyncadd.s32 $0xFFFFFFFF  }
0xbb: {  	_ =	strace $0x90000048  }
0xbc: {  	_ =	sfence  }
0xbd: {  	s30 =	sld [smem:$0x0];
	_ =	sdelay $0x2  }
0xbe: {  	s31 =	sshll.u32 s1, $0xD;
	s1 =	sshrl.u32 s1, $0x2  }
0xbf: {  	s3 =	sand.u32 $0x4000, s31;
	s1 =	sadd.s32 s1, s30  }
0xc0: {  	s0 =	sor.u32 s3, s0;
	s1 =	sshll.u32 s1, $0x11  }
0xc1: {  	s0 =	sor.u32 s1, s0  }
0xc2: {  	s0 =	sadd.s32 $0x8F2B, s0  }
0xc3: {  	[sflag:s0] =	ssyncadd.remote.s32 $0x1  }
0xc4: {  	_ =	sfence.sel $0xFFFF  }
0xc5: {  	[dreg:$0x0] =	wrdreg $0xFFFFFFFF;
	(pc) =	sbr.abs _section_cstart, $3  }
0xc6: {  	[dreg:$0x1] =	wrdreg $0xFFFFFFFF  }
0xc7: {  	_ =	task.clear_ibuf [dreg:s7], $0x2FFFF;
	_ =	strace $0x9FFFFFFF  }
0xc8: {  	(tm) =	ssettm $0x7FFFFFFF  }
0xc9: {  	_ =	shalt  }
tec
execute0_lowered:
.L_overlay_start_1:
0x0: {  	(tag) =	ssettag $0x1  }
0x1: {  	s1 =	srdreg.scid  }
0x2: {  	s0 =	stileid.u32;
	s6 =	sand.u32 $0x1, s1  }
0x3: {  	s7 =	rddreg [dreg:$0x0];
	s29 =	sshll.u32 s0, $0x4;
	s3 =	sshll.u32 s6, $0x3  }
0x4: {  	s2 =	rddreg [dreg:$0x1];
	s5 =	simm.s32 $0x2;
	s8 =	sor.u32 s3, s29  }
0x5: {  	s1 =	rddreg [dreg:$0x2];
	s3 =	simm.s32 $0x0;
	s4 =	sshrl.u32 s8, $0x3  }
0x6: {  	s9 =	ssub.s32 $0x2, s6;
	[smem:$0x7FF] =	sst s3;
	s4 =	sadd.s32 s4, s7  }
0x7: {  	s8 =	sshll.u32 s8, $0x4;
	_ =	strace $0x80000047;
	s4 =	sadd.s32 $0x2200, s4  }
0x8: {  	[tilespmem:s3], [sflag:$0x2] =	stream.linear.gather [hbm4b:s4+s3], $0x8, $0x38;
	[tilespmem:$0x480] =	vst v63  }
0x9: {  	s31 =	sshrl.u32 s9, $0x1;
	s30 =	sadd.s32 s8, s7;
	_ =	swait.ge [sflag:s5], $0x8  }
0xa: {  	s7 =	simm.s32 $0x80;
	s8 =	ssub.s32 s9, s31;
	[sflag:s5] =	ssyncset.done $0x0  }
0xb: {  	s6 =	sadd.s32 $0x1200, s30;
	s10 =	smax.u32 s8, $0x1;
	[sflag:s5] =	ssyncadd.s32 $0xFFFFFFF8  }
0xc: {  	[tilespmem:s7], [sflag:$0x2] =	stream.linear.gather [hbm4b:s6+s3], $0x400, $0x38;
	[tilespmem:$0x480] =	vst v63  }
0xd: {  	p0 =	sne.s32 s10, $0x1;
	_ =	swait.ge [sflag:s5], $0x400  }
.Ltmp0:
0xe: {  	[sflag:s5] =	ssyncset.done $0x0;
	(pc) =	sbr.rel @!p0 .LBB2_2-.Ltmp0, $4  }
0xf: {  	s9 =	simm.s32 $0x8;
	s8 =	simm.s32 $0x1;
	[sflag:s5] =	ssyncadd.s32 $0xFFFFFC00  }
0x10: {  	[hbm4b:s2+s9] =	stream.indirect.scatter [tilespmem:s7], [sflag:$0x1], $0x80, s3, s9, $0xb8;
	[tilespmem:$0x480] =	vst v63  }
0x11: {  	_ =	swait.ge [sflag:s8], $0x400  }
0x12: {  	s10 =	sadd.s32 $0xFFFFFFFF, s10;
	[sflag:s8] =	ssyncset.done $0x0  }
.LBB2_1:
0x13: {  	p0 =	sne.s32 s10, $0x1;
	s10 =	sadd.s32 $0xFFFFFFFF, s10;
	[sflag:s8] =	ssyncadd.s32 $0xFFFFFC00  }
0x14: {  	[tilespmem:s3], [sflag:$0x2] =	stream.linear.gather [hbm4b:s4+s3], $0x8, $0x38;
	[tilespmem:$0x480] =	vst v63  }
0x15: {  	_ =	swait.ge [sflag:s5], $0x8  }
0x16: {  	[sflag:s5] =	ssyncset.done $0x0  }
0x17: {  	[sflag:s5] =	ssyncadd.s32 $0xFFFFFFF8  }
0x18: {  	[tilespmem:s7], [sflag:$0x2] =	stream.linear.gather [hbm4b:s6+s3], $0x400, $0x38;
	[tilespmem:$0x480] =	vst v63  }
0x19: {  	_ =	swait.ge [sflag:s5], $0x400  }
.Ltmp1:
0x1a: {  	[sflag:s5] =	ssyncset.done $0x0;
	(pc) =	sbr.rel @p0 .LBB2_1-.Ltmp1, $4  }
0x1b: {  	[sflag:s5] =	ssyncadd.s32 $0xFFFFFC00  }
0x1c: {  	[hbm4b:s2+s9] =	stream.indirect.scatter [tilespmem:s7], [sflag:$0x1], $0x80, s3, s9, $0xb8;
	[tilespmem:$0x480] =	vst v63  }
0x1d: {  	_ =	swait.ge [sflag:s8], $0x400  }
0x1e: {  	[sflag:s8] =	ssyncset.done $0x0  }
.LBB2_2:
0x1f: {  	[sflag:s8] =	ssyncadd.s32 $0xFFFFFC00  }
0x20: {  	_ =	sfence.sel $0x180000  }
0x21: {  	[bflag:$0x0] =	sbarrier.arrive $0xFFFF  }
0x22: {  	p0 =	sne.s32 s0, $0x0;
	_ =	strace $0x90000047  }
0x23: {  	s0 =	sadd.s32 @!p0 $0x100000, s1;
	[bflag:$0x2] =	sbarrier.arrive $0xFFFF  }
0x24: {  	[sflag:s0] =	ssyncadd.tile.s32 @!p0 $0x1;
	_ =	shalt  }
.Lfunc_end2:
_tile_overlayer_lowered:
.L_overlay_start_2:
0x25: {  	(tag) =	ssettag $0x2  }
0x26: {  	s0 =	rddreg [dreg:$0x0];
	s2 =	stileid.u32  }
0x27: {  	s1 =	rddreg [dreg:$0x1];
	p0 =	sne.s32 s2, $0x0  }
0x28: {  	s3 =	rddreg [dreg:$0x2];
	[bflag:$0x3] =	sbarrier.arrive $0xFFFF;
	s2 =	simm.s32 @!p0 $0x1C02  }
0x29: {  	[timem:s3], [sflag:s2] =	dma.local @!p0 [hbm:s0], s1  }
0x2a: {  	s0 =	simm.s32 @!p0 $0x2  }
0x2b: {  	_ =	swait.ge @!p0 [sflag:s0], s1  }
0x2c: {  	s1 =	ssub.s32 @!p0 $0x0, s1;
	[sflag:s0] =	ssyncset.done @!p0 $0x0  }
0x2d: {  	[sflag:s0] =	ssyncadd.s32 @!p0 s1  }
0x2e: {  	[bflag:$0x3] =	sbarrier.arrive $0xFFFF  }
0x2f: {  	_ =	shalt  }

</sc_bundles>
